<compile_context>
chip_gen: v7x
topology: tpu7x:2x2x1
jax: 0.10.2.dev20260603
libtpu: 0.0.44.dev20260713+nightly
codegen_flags: <defaults>
</compile_context>

<pallas_src>
import functools

import jax
import jax.numpy as jnp
from jax import lax
from jax.experimental import pallas as pl
from jax.experimental.pallas import tpu as pltpu
from jax.experimental.pallas import tpu_sc as plsc

N = 10000
E = 320000
DIM = 128
H = 4
DH = DIM // H

NP = 10240
NS = 16
C = 80
EPT = E // NS
NCHUNK = EPT // C
RPT = NP // NS

BLK = 400
GRID = N // BLK


def _tc_pre(x_ref, wg_ref, amat_ref, hx_ref, atab_ref):
    blk = x_ref[...]
    hval = jnp.dot(blk, wg_ref[...], preferred_element_type=jnp.float32)
    outv = jnp.where(pl.program_id(0) < GRID, hval, blk)
    hx_ref[...] = outv
    atab_ref[...] = jnp.dot(outv, amat_ref[...], preferred_element_type=jnp.float32)


def _sc_edge(hx_hbm, atab_hbm, src_hbm, dst_hbm,
             outg, outx, outw,
             src_v, dst_v, src2_v, rows_v, ts_v, td_v, w8_v,
             acc_sh, acc8_sh, sem):
    cid = lax.axis_index("c")
    sid = lax.axis_index("s")
    iota = lax.iota(jnp.int32, 16)
    z16 = jnp.zeros((16,), jnp.float32)
    zi16 = jnp.zeros((16,), jnp.int32)

    def _zrow(i, carry):
        for k in range(8):
            rows_v[i, pl.ds(k * 16, 16)] = z16
        return carry
    lax.fori_loop(0, C, _zrow, 0)

    def _zw8(i, carry):
        w8_v[i, pl.ds(0, 16)] = z16
        ts_v[i, pl.ds(0, 16)] = z16
        td_v[i, pl.ds(0, 16)] = z16
        return carry
    lax.fori_loop(0, C, _zw8, 0)

    for j in range(RPT // C):
        pltpu.sync_copy(rows_v, acc_sh.at[pl.ds(sid * RPT + j * C, C)])
        pltpu.sync_copy(w8_v, acc8_sh.at[pl.ds(sid * RPT + j * C, C)])

    plsc.subcore_barrier()

    offv = jnp.full((16,), 0, jnp.int32) + cid * N

    def chunk(ci, carry):
        base = sid * EPT + ci * C
        pltpu.sync_copy(src_hbm.at[pl.ds(base, C)], src_v)
        pltpu.sync_copy(dst_hbm.at[pl.ds(base, C)], dst_v)
        for g in range(C // 16):
            sl = pl.ds(g * 16, 16)
            src2_v[sl] = src_v[sl] + offv
        pltpu.async_copy(hx_hbm.at[src2_v], rows_v, sem).wait()

        @pl.when(cid == 0)
        def _():
            pltpu.async_copy(atab_hbm.at[src_v], ts_v, sem).wait()
            pltpu.async_copy(atab_hbm.at[dst_v], td_v, sem).wait()

        def scale(ei, c2):
            e16 = (ts_v[ei, pl.ds(0, 16)]
                   + lax.rev(td_v[ei, pl.ds(0, 16)], dimensions=(0,)))
            w16 = jnp.exp(jnp.maximum(e16, e16 * 0.2))
            w8row = jnp.where(iota < 4, w16,
                              jnp.where(iota == 4, 1.0, 0.0).astype(jnp.float32))
            w8_v[ei, pl.ds(0, 16)] = w8row
            for hh in range(H):
                wv = jnp.full((16,), w16[hh])
                for k in range(2):
                    sl = pl.ds(hh * 32 + k * 16, 16)
                    rows_v[ei, sl] = rows_v[ei, sl] * wv
            return c2
        lax.fori_loop(0, C, scale, 0)

        pltpu.sync_copy(rows_v, acc_sh.at[dst_v], add=True)
        pltpu.sync_copy(w8_v, acc8_sh.at[dst_v], add=True)
        return carry
    lax.fori_loop(0, NCHUNK, chunk, 0)

    plsc.subcore_barrier()

    rb = pl.ds(sid * RPT, RPT)
    @pl.when(cid == 0)
    def _():
        pltpu.sync_copy(acc_sh.at[rb], outg.at[rb])
        pltpu.sync_copy(acc8_sh.at[rb], outw.at[rb])

    @pl.when(cid != 0)
    def _():
        pltpu.sync_copy(acc_sh.at[rb], outx.at[rb])


def _tc_post(accg_ref, accx_ref, wcnt_ref, h_ref, atab_ref, x_ref,
             p164_ref, q84_ref, q81_ref, r_ref,
             wsl_ref, wsr_ref, wp1_ref, wp2_ref,
             bgat_ref, bsl_ref, bproj_ref, gamma_ref, beta_ref, out_ref):
    f32 = jnp.float32
    atab = atab_ref[...]
    esum4 = jnp.dot(atab, p164_ref[...], preferred_element_type=f32)
    wself4 = jnp.exp(jnp.maximum(esum4, esum4 * 0.2))
    den4 = jnp.dot(wcnt_ref[...], q84_ref[...], preferred_element_type=f32) + wself4 + 1e-16
    cnt1 = jnp.dot(wcnt_ref[...], q81_ref[...], preferred_element_type=f32)
    wrep = jnp.dot(wself4, r_ref[...], preferred_element_type=f32)
    denrep = jnp.dot(den4, r_ref[...], preferred_element_type=f32)
    x = x_ref[...]
    h = h_ref[...]
    gat = (accg_ref[...] + h * wrep) / denrep + bgat_ref[...]
    mean = accx_ref[...] / jnp.maximum(cnt1, 1.0)
    sage = (jnp.dot(mean, wsl_ref[...], preferred_element_type=f32) + bsl_ref[...]
            + jnp.dot(x, wsr_ref[...], preferred_element_type=f32))
    o = (jnp.dot(gat, wp1_ref[...], preferred_element_type=f32)
         + jnp.dot(sage, wp2_ref[...], preferred_element_type=f32) + bproj_ref[...])
    y = o + x
    mu = jnp.mean(y, axis=-1, keepdims=True)
    d = y - mu
    var = jnp.mean(d * d, axis=-1, keepdims=True)
    out_ref[...] = gamma_ref[...] * d * lax.rsqrt(var + 1e-5) + beta_ref[...]


def kernel(x, edge_index, W_gat, att_src, att_dst, b_gat, W_sage_l, b_sage_l,
           W_sage_r, W_proj, b_proj, gamma, beta):
    f32 = jnp.float32
    src = edge_index[0]
    dst = edge_index[1]

    amat = jnp.zeros((DIM, 16), f32)
    for hh in range(H):
        amat = amat.at[hh * DH:(hh + 1) * DH, hh].set(att_src[hh])
        amat = amat.at[hh * DH:(hh + 1) * DH, 15 - hh].set(att_dst[hh])

    hx, atab = pl.pallas_call(
        _tc_pre,
        grid=(2 * GRID,),
        in_specs=[
            pl.BlockSpec((BLK, DIM), lambda i: (i % GRID, 0)),
            pl.BlockSpec((DIM, DIM), lambda i: (0, 0)),
            pl.BlockSpec((DIM, 16), lambda i: (0, 0)),
        ],
        out_specs=[
            pl.BlockSpec((BLK, DIM), lambda i: (i, 0)),
            pl.BlockSpec((BLK, 16), lambda i: (i, 0)),
        ],
        out_shape=[
            jax.ShapeDtypeStruct((2 * N, DIM), f32),
            jax.ShapeDtypeStruct((2 * N, 16), f32),
        ],
    )(x, W_gat, amat)

    sc_edge = functools.partial(
        pl.kernel,
        mesh=plsc.VectorSubcoreMesh(core_axis_name="c", subcore_axis_name="s"),
        compiler_params=pltpu.CompilerParams(use_tc_tiling_on_sc=False),
        out_type=[
            jax.ShapeDtypeStruct((NP, DIM), f32),
            jax.ShapeDtypeStruct((NP, DIM), f32),
            jax.ShapeDtypeStruct((NP, 16), f32),
        ],
        scratch_types=[
            pltpu.VMEM((C,), jnp.int32),
            pltpu.VMEM((C,), jnp.int32),
            pltpu.VMEM((C,), jnp.int32),
            pltpu.VMEM((C, DIM), f32),
            pltpu.VMEM((C, 16), f32),
            pltpu.VMEM((C, 16), f32),
            pltpu.VMEM((C, 16), f32),
            pltpu.VMEM_SHARED((NP, DIM), f32),
            pltpu.VMEM_SHARED((NP, 16), f32),
            pltpu.SemaphoreType.DMA,
        ],
    )(_sc_edge)
    accg, accx, wcnt = sc_edge(hx, atab, src, dst)

    p164 = jnp.zeros((16, H), f32)
    for hh in range(H):
        p164 = p164.at[hh, hh].set(1.0).at[15 - hh, hh].set(1.0)
    q84 = jnp.zeros((16, H), f32).at[:4, :4].set(jnp.eye(H, dtype=f32))
    q81 = jnp.zeros((16, 1), f32).at[4, 0].set(1.0)
    rmat = jnp.repeat(jnp.eye(H, dtype=f32), DH, axis=1)

    row = lambda v: v.reshape(1, DIM)
    out = pl.pallas_call(
        _tc_post,
        grid=(GRID,),
        in_specs=[
            pl.BlockSpec((BLK, DIM), lambda i: (i, 0)),
            pl.BlockSpec((BLK, DIM), lambda i: (i, 0)),
            pl.BlockSpec((BLK, 16), lambda i: (i, 0)),
            pl.BlockSpec((BLK, DIM), lambda i: (i, 0)),
            pl.BlockSpec((BLK, 16), lambda i: (i, 0)),
            pl.BlockSpec((BLK, DIM), lambda i: (i, 0)),
            pl.BlockSpec((16, H), lambda i: (0, 0)),
            pl.BlockSpec((16, H), lambda i: (0, 0)),
            pl.BlockSpec((16, 1), lambda i: (0, 0)),
            pl.BlockSpec((H, DIM), lambda i: (0, 0)),
            pl.BlockSpec((DIM, DIM), lambda i: (0, 0)),
            pl.BlockSpec((DIM, DIM), lambda i: (0, 0)),
            pl.BlockSpec((DIM, DIM), lambda i: (0, 0)),
            pl.BlockSpec((DIM, DIM), lambda i: (0, 0)),
            pl.BlockSpec((1, DIM), lambda i: (0, 0)),
            pl.BlockSpec((1, DIM), lambda i: (0, 0)),
            pl.BlockSpec((1, DIM), lambda i: (0, 0)),
            pl.BlockSpec((1, DIM), lambda i: (0, 0)),
            pl.BlockSpec((1, DIM), lambda i: (0, 0)),
        ],
        out_specs=pl.BlockSpec((BLK, DIM), lambda i: (i, 0)),
        out_shape=jax.ShapeDtypeStruct((N, DIM), f32),
    )(accg, accx, wcnt, hx, atab, x,
      p164, q84, q81, rmat,
      W_sage_l, W_sage_r, W_proj[:DIM], W_proj[DIM:],
      row(b_gat), row(b_sage_l), row(b_proj), row(gamma), row(beta))
    return out

# --- scband reference (transcript-rebuilt; emitter-appended) ---
"""Pipeline reference for scband-graph-layer-3298534883925 (READ-ONLY COPY).

The authoritative reference and input builder live on the scoring server;
editing this copy changes nothing except your own understanding.
"""

import jax, jax.numpy as jnp
import numpy as np

N = 10000
E = 320000
DIM = 128
H = 4
DH = DIM // H

def setup_inputs(seed: int = 0):
    key = jax.random.key(seed)
    ks = jax.random.split(key, 14)
    s = 1.0 / np.sqrt(DIM)
    return {
        'x': jax.random.normal(ks[0], (N, DIM), dtype=jnp.float32),
        'edge_index': jax.random.randint(ks[1], (2, E), 0, N, dtype=jnp.int32),
        'W_gat': jax.random.normal(ks[2], (DIM, H * DH), dtype=jnp.float32) * s,
        'att_src': jax.random.normal(ks[3], (H, DH), dtype=jnp.float32) * s,
        'att_dst': jax.random.normal(ks[4], (H, DH), dtype=jnp.float32) * s,
        'b_gat': jnp.zeros((H * DH,), dtype=jnp.float32),
        'W_sage_l': jax.random.normal(ks[5], (DIM, DIM), dtype=jnp.float32) * s,
        'b_sage_l': jnp.zeros((DIM,), dtype=jnp.float32),
        'W_sage_r': jax.random.normal(ks[6], (DIM, DIM), dtype=jnp.float32) * s,
        'W_proj': jax.random.normal(ks[7], (2 * DIM, DIM), dtype=jnp.float32) * (1.0 / np.sqrt(2 * DIM)),
        'b_proj': jnp.zeros((DIM,), dtype=jnp.float32),
        'gamma': jnp.ones((DIM,), dtype=jnp.float32),
        'beta': jnp.zeros((DIM,), dtype=jnp.float32),
    }

def _forward(x, W_gat, att_src, att_dst, b_gat, W_sage_l, b_sage_l, W_sage_r, W_proj, b_proj, gamma, beta, edge_index):
    n = x.shape[0]
    # GATConv (PyG defaults: add_self_loops=True, concat=True, leaky_relu 0.2)
    loops = jnp.arange(n, dtype=edge_index.dtype)
    src = jnp.concatenate([edge_index[0], loops])
    dst = jnp.concatenate([edge_index[1], loops])
    h = (x @ W_gat).reshape(n, H, DH)
    a_src = (h * att_src[None, :, :]).sum(-1)
    a_dst = (h * att_dst[None, :, :]).sum(-1)
    e = jax.nn.leaky_relu(a_src[src] + a_dst[dst], negative_slope=0.2)
    e_max = jax.ops.segment_max(e, dst, num_segments=n)
    e_exp = jnp.exp(e - e_max[dst])
    denom = jax.ops.segment_sum(e_exp, dst, num_segments=n)
    alpha = e_exp / (denom[dst] + 1e-16)
    msg = h[src] * alpha[:, :, None]
    gat_out = jax.ops.segment_sum(msg, dst, num_segments=n).reshape(n, H * DH) + b_gat
    # SAGEConv (mean aggregation, no self loops)
    s_idx, d_idx = edge_index[0], edge_index[1]
    nsum = jax.ops.segment_sum(x[s_idx], d_idx, num_segments=n)
    cnt = jax.ops.segment_sum(jnp.ones((s_idx.shape[0], 1), dtype=x.dtype), d_idx, num_segments=n)
    mean_agg = nsum / jnp.maximum(cnt, 1.0)
    sage_out = mean_agg @ W_sage_l + b_sage_l + x @ W_sage_r
    # proj + residual + layernorm
    concat = jnp.concatenate([gat_out, sage_out], axis=-1)
    out = concat @ W_proj + b_proj
    y = out + x
    mu = y.mean(-1, keepdims=True)
    var = ((y - mu) ** 2).mean(-1, keepdims=True)
    return gamma * (y - mu) / jnp.sqrt(var + 1e-5) + beta

def reference(x, edge_index, W_gat, att_src, att_dst, b_gat, W_sage_l, b_sage_l, W_sage_r, W_proj, b_proj, gamma, beta):
    return _forward(x, W_gat, att_src, att_dst, b_gat, W_sage_l, b_sage_l, W_sage_r, W_proj, b_proj, gamma, beta, edge_index)

if __name__ == "__main__":
    import jax
    _d = setup_inputs()
    print(jax.jit(kernel)(*tuple(_d.values())))

</pallas_src>

<mosaic_0001>
#map = affine_map<(d0, d1) -> (0, 0)>
#map1 = affine_map<(d0, d1) -> (0)>
module attributes {stable_mosaic.version = 14 : i64} {
  func.func @_sc_edge(%arg0: i32, %arg1: i32, %arg2: memref<20000x128xf32, #tpu.memory_space<hbm>>, %arg3: memref<20000x16xf32, #tpu.memory_space<hbm>>, %arg4: memref<320000xi32, #tpu.memory_space<hbm>>, %arg5: memref<320000xi32, #tpu.memory_space<hbm>>, %arg6: memref<10240x128xf32, #tpu.memory_space<hbm>>, %arg7: memref<10240x128xf32, #tpu.memory_space<hbm>>, %arg8: memref<10240x16xf32, #tpu.memory_space<hbm>>, %arg9: memref<80xi32, #tpu.memory_space<vmem>>, %arg10: memref<80xi32, #tpu.memory_space<vmem>>, %arg11: memref<80xi32, #tpu.memory_space<vmem>>, %arg12: memref<80x128xf32, #tpu.memory_space<vmem>>, %arg13: memref<80x16xf32, #tpu.memory_space<vmem>>, %arg14: memref<80x16xf32, #tpu.memory_space<vmem>>, %arg15: memref<80x16xf32, #tpu.memory_space<vmem>>, %arg16: memref<10240x128xf32, #tpu.memory_space<vmem_shared>>, %arg17: memref<10240x16xf32, #tpu.memory_space<vmem_shared>>, %arg18: memref<!tpu.dma_semaphore, #tpu.memory_space<semaphore_mem>>) attributes {dimension_semantics = [#tpu.dimension_semantics<core_parallel>, #tpu.dimension_semantics<subcore_parallel>], iteration_bounds = array<i64: 2, 16>, scalar_prefetch = 0 : i64, scratch_operands = 10 : i64, tpu.core_type = #tpu.core_type<sc_vector_subcore>, window_params = [{transform_indices = #map}, {transform_indices = #map}, {transform_indices = #map1}, {transform_indices = #map1}, {transform_indices = #map}, {transform_indices = #map}, {transform_indices = #map}]} {
    %iota3A = tpu.iota {dimensions = array<i32: 0>} : vector<16xi32>
    %broadcast_in_dim3A = arith.constant 0.000000e+00 : f32
    %broadcast_in_dim3A_0 = vector.broadcast %broadcast_in_dim3A : f32 to vector<16xf32>
    %broadcast_in_dim3A_1 = arith.constant 0 : i32
    %broadcast_in_dim3A_2 = vector.broadcast %broadcast_in_dim3A_1 : i32 to vector<16xi32>
    %scan3A = arith.constant 0 : i32
    %scan3A_3 = arith.constant 0 : i32
    %scan3A_4 = arith.constant 80 : i32
    %scan3A_5 = arith.addi %scan3A_3, %scan3A_4 : i32
    %scan3A_6 = arith.constant 1 : i32
    scf.for %scan3A_97 = %scan3A_3 to %scan3A_5 step %scan3A_6  : i32 {
      %swap3A = arith.index_cast %scan3A_97 : i32 to index
      %swap3A_98 = arith.constant 0 : index
      %swap3A_99 = tpu.vector_load %arg12[%swap3A, %swap3A_98] {strides = array<i32>} : memref<80x128xf32, #tpu.memory_space<vmem>>, vector<1x16xf32>,
      %swap3A_100 = vector.shape_cast %swap3A_99 : vector<1x16xf32> to vector<16xf32>
      %swap3A_101 = vector.shape_cast %broadcast_in_dim3A_0 : vector<16xf32> to vector<1x16xf32>
      tpu.vector_store %arg12[%swap3A, %swap3A_98], %swap3A_101 {strides = array<i32>} : memref<80x128xf32, #tpu.memory_space<vmem>>, vector<1x16xf32>,
      %swap3A_102 = arith.index_cast %scan3A_97 : i32 to index
      %swap3A_103 = arith.constant 16 : index
      %swap3A_104 = tpu.vector_load %arg12[%swap3A_102, %swap3A_103] {strides = array<i32>} : memref<80x128xf32, #tpu.memory_space<vmem>>, vector<1x16xf32>,
      %swap3A_105 = vector.shape_cast %swap3A_104 : vector<1x16xf32> to vector<16xf32>
      %swap3A_106 = vector.shape_cast %broadcast_in_dim3A_0 : vector<16xf32> to vector<1x16xf32>
      tpu.vector_store %arg12[%swap3A_102, %swap3A_103], %swap3A_106 {strides = array<i32>} : memref<80x128xf32, #tpu.memory_space<vmem>>, vector<1x16xf32>,
      %swap3A_107 = arith.index_cast %scan3A_97 : i32 to index
      %swap3A_108 = arith.constant 32 : index
      %swap3A_109 = tpu.vector_load %arg12[%swap3A_107, %swap3A_108] {strides = array<i32>} : memref<80x128xf32, #tpu.memory_space<vmem>>, vector<1x16xf32>,
      %swap3A_110 = vector.shape_cast %swap3A_109 : vector<1x16xf32> to vector<16xf32>
      %swap3A_111 = vector.shape_cast %broadcast_in_dim3A_0 : vector<16xf32> to vector<1x16xf32>
      tpu.vector_store %arg12[%swap3A_107, %swap3A_108], %swap3A_111 {strides = array<i32>} : memref<80x128xf32, #tpu.memory_space<vmem>>, vector<1x16xf32>,
      %swap3A_112 = arith.index_cast %scan3A_97 : i32 to index
      %swap3A_113 = arith.constant 48 : index
      %swap3A_114 = tpu.vector_load %arg12[%swap3A_112, %swap3A_113] {strides = array<i32>} : memref<80x128xf32, #tpu.memory_space<vmem>>, vector<1x16xf32>,
      %swap3A_115 = vector.shape_cast %swap3A_114 : vector<1x16xf32> to vector<16xf32>
      %swap3A_116 = vector.shape_cast %broadcast_in_dim3A_0 : vector<16xf32> to vector<1x16xf32>
      tpu.vector_store %arg12[%swap3A_112, %swap3A_113], %swap3A_116 {strides = array<i32>} : memref<80x128xf32, #tpu.memory_space<vmem>>, vector<1x16xf32>,
      %swap3A_117 = arith.index_cast %scan3A_97 : i32 to index
      %swap3A_118 = arith.constant 64 : index
      %swap3A_119 = tpu.vector_load %arg12[%swap3A_117, %swap3A_118] {strides = array<i32>} : memref<80x128xf32, #tpu.memory_space<vmem>>, vector<1x16xf32>,
      %swap3A_120 = vector.shape_cast %swap3A_119 : vector<1x16xf32> to vector<16xf32>
      %swap3A_121 = vector.shape_cast %broadcast_in_dim3A_0 : vector<16xf32> to vector<1x16xf32>
      tpu.vector_store %arg12[%swap3A_117, %swap3A_118], %swap3A_121 {strides = array<i32>} : memref<80x128xf32, #tpu.memory_space<vmem>>, vector<1x16xf32>,
      %swap3A_122 = arith.index_cast %scan3A_97 : i32 to index
      %swap3A_123 = arith.constant 80 : index
      %swap3A_124 = tpu.vector_load %arg12[%swap3A_122, %swap3A_123] {strides = array<i32>} : memref<80x128xf32, #tpu.memory_space<vmem>>, vector<1x16xf32>,
      %swap3A_125 = vector.shape_cast %swap3A_124 : vector<1x16xf32> to vector<16xf32>
      %swap3A_126 = vector.shape_cast %broadcast_in_dim3A_0 : vector<16xf32> to vector<1x16xf32>
      tpu.vector_store %arg12[%swap3A_122, %swap3A_123], %swap3A_126 {strides = array<i32>} : memref<80x128xf32, #tpu.memory_space<vmem>>, vector<1x16xf32>,
      %swap3A_127 = arith.index_cast %scan3A_97 : i32 to index
      %swap3A_128 = arith.constant 96 : index
      %swap3A_129 = tpu.vector_load %arg12[%swap3A_127, %swap3A_128] {strides = array<i32>} : memref<80x128xf32, #tpu.memory_space<vmem>>, vector<1x16xf32>,
      %swap3A_130 = vector.shape_cast %swap3A_129 : vector<1x16xf32> to vector<16xf32>
      %swap3A_131 = vector.shape_cast %broadcast_in_dim3A_0 : vector<16xf32> to vector<1x16xf32>
      tpu.vector_store %arg12[%swap3A_127, %swap3A_128], %swap3A_131 {strides = array<i32>} : memref<80x128xf32, #tpu.memory_space<vmem>>, vector<1x16xf32>,
      %swap3A_132 = arith.index_cast %scan3A_97 : i32 to index
      %swap3A_133 = arith.constant 112 : index
      %swap3A_134 = tpu.vector_load %arg12[%swap3A_132, %swap3A_133] {strides = array<i32>} : memref<80x128xf32, #tpu.memory_space<vmem>>, vector<1x16xf32>,
      %swap3A_135 = vector.shape_cast %swap3A_134 : vector<1x16xf32> to vector<16xf32>
      %swap3A_136 = vector.shape_cast %broadcast_in_dim3A_0 : vector<16xf32> to vector<1x16xf32>
      tpu.vector_store %arg12[%swap3A_132, %swap3A_133], %swap3A_136 {strides = array<i32>} : memref<80x128xf32, #tpu.memory_space<vmem>>, vector<1x16xf32>,
    }
    %scan3A_7 = arith.constant 80 : i32
    %scan3A_8 = arith.constant 0 : i32
    %scan3A_9 = arith.constant 0 : i32
    %scan3A_10 = arith.constant 80 : i32
    %scan3A_11 = arith.addi %scan3A_9, %scan3A_10 : i32
    %scan3A_12 = arith.constant 1 : i32
    scf.for %scan3A_97 = %scan3A_9 to %scan3A_11 step %scan3A_12  : i32 {
      %swap3A = arith.index_cast %scan3A_97 : i32 to index
      %swap3A_98 = arith.constant 0 : index
      %swap3A_99 = tpu.vector_load %arg15[%swap3A, %swap3A_98] {strides = array<i32>} : memref<80x16xf32, #tpu.memory_space<vmem>>, vector<1x16xf32>,
      %swap3A_100 = vector.shape_cast %swap3A_99 : vector<1x16xf32> to vector<16xf32>
      %swap3A_101 = vector.shape_cast %broadcast_in_dim3A_0 : vector<16xf32> to vector<1x16xf32>
      tpu.vector_store %arg15[%swap3A, %swap3A_98], %swap3A_101 {strides = array<i32>} : memref<80x16xf32, #tpu.memory_space<vmem>>, vector<1x16xf32>,
      %swap3A_102 = arith.index_cast %scan3A_97 : i32 to index
      %swap3A_103 = arith.constant 0 : index
      %swap3A_104 = tpu.vector_load %arg13[%swap3A_102, %swap3A_103] {strides = array<i32>} : memref<80x16xf32, #tpu.memory_space<vmem>>, vector<1x16xf32>,
      %swap3A_105 = vector.shape_cast %swap3A_104 : vector<1x16xf32> to vector<16xf32>
      %swap3A_106 = vector.shape_cast %broadcast_in_dim3A_0 : vector<16xf32> to vector<1x16xf32>
      tpu.vector_store %arg13[%swap3A_102, %swap3A_103], %swap3A_106 {strides = array<i32>} : memref<80x16xf32, #tpu.memory_space<vmem>>, vector<1x16xf32>,
      %swap3A_107 = arith.index_cast %scan3A_97 : i32 to index
      %swap3A_108 = arith.constant 0 : index
      %swap3A_109 = tpu.vector_load %arg14[%swap3A_107, %swap3A_108] {strides = array<i32>} : memref<80x16xf32, #tpu.memory_space<vmem>>, vector<1x16xf32>,
      %swap3A_110 = vector.shape_cast %swap3A_109 : vector<1x16xf32> to vector<16xf32>
      %swap3A_111 = vector.shape_cast %broadcast_in_dim3A_0 : vector<16xf32> to vector<1x16xf32>
      tpu.vector_store %arg14[%swap3A_107, %swap3A_108], %swap3A_111 {strides = array<i32>} : memref<80x16xf32, #tpu.memory_space<vmem>>, vector<1x16xf32>,
    }
    %scan3A_13 = arith.constant 80 : i32
    %mul3A = arith.constant 640 : i32
    %mul3A_14 = arith.muli %arg1, %mul3A : i32
    %add3A = arith.constant 0 : i32
    %add3A_15 = arith.addi %mul3A_14, %add3A : i32
    "tpu.region"() ({
      %run_scoped3A = tpu.sem_alloc : memref<!tpu.dma_semaphore, #tpu.memory_space<semaphore_mem>>
      %dma_start3A = arith.constant 0 : i32
      %dma_start3A_97 = tpu.memref_slice %arg16[%add3A_15, %dma_start3A] : memref<10240x128xf32, #tpu.memory_space<vmem_shared>> -> memref<80x128xf32, #tpu.memory_space<vmem_shared>>
      %dma_start3A_98 = arith.constant 0 : i32
      %dma_start3A_99 = tpu.memref_slice %arg16[%add3A_15, %dma_start3A_98] : memref<10240x128xf32, #tpu.memory_space<vmem_shared>> -> memref<80x128xf32, #tpu.memory_space<vmem_shared>>
      tpu.enqueue_dma source(%arg12 : memref<80x128xf32, #tpu.memory_space<vmem>>) target(%dma_start3A_99 : memref<80x128xf32, #tpu.memory_space<vmem_shared>>) target_semaphore(%run_scoped3A : memref<!tpu.dma_semaphore, #tpu.memory_space<semaphore_mem>>)
      %dma_wait3A = arith.constant 0 : i32
      %dma_wait3A_100 = tpu.memref_slice %arg16[%add3A_15, %dma_wait3A] : memref<10240x128xf32, #tpu.memory_space<vmem_shared>> -> memref<80x128xf32, #tpu.memory_space<vmem_shared>>
      %dma_wait3A_101 = arith.constant 0 : i32
      %dma_wait3A_102 = tpu.memref_slice %arg16[%add3A_15, %dma_wait3A_101] : memref<10240x128xf32, #tpu.memory_space<vmem_shared>> -> memref<80x128xf32, #tpu.memory_space<vmem_shared>>
      tpu.wait_dma2 semaphore(%run_scoped3A : memref<!tpu.dma_semaphore, #tpu.memory_space<semaphore_mem>>) src(%arg12 : memref<80x128xf32, #tpu.memory_space<vmem>>) dst(%dma_wait3A_102 : memref<80x128xf32, #tpu.memory_space<vmem_shared>>)
      tpu.yield
    }) : () -> ()
    %mul3A_16 = arith.constant 640 : i32
    %mul3A_17 = arith.muli %arg1, %mul3A_16 : i32
    %add3A_18 = arith.constant 0 : i32
    %add3A_19 = arith.addi %mul3A_17, %add3A_18 : i32
    "tpu.region"() ({
      %run_scoped3A = tpu.sem_alloc : memref<!tpu.dma_semaphore, #tpu.memory_space<semaphore_mem>>
      %dma_start3A = arith.constant 0 : i32
      %dma_start3A_97 = tpu.memref_slice %arg17[%add3A_19, %dma_start3A] : memref<10240x16xf32, #tpu.memory_space<vmem_shared>> -> memref<80x16xf32, #tpu.memory_space<vmem_shared>>
      %dma_start3A_98 = arith.constant 0 : i32
      %dma_start3A_99 = tpu.memref_slice %arg17[%add3A_19, %dma_start3A_98] : memref<10240x16xf32, #tpu.memory_space<vmem_shared>> -> memref<80x16xf32, #tpu.memory_space<vmem_shared>>
      tpu.enqueue_dma source(%arg15 : memref<80x16xf32, #tpu.memory_space<vmem>>) target(%dma_start3A_99 : memref<80x16xf32, #tpu.memory_space<vmem_shared>>) target_semaphore(%run_scoped3A : memref<!tpu.dma_semaphore, #tpu.memory_space<semaphore_mem>>)
      %dma_wait3A = arith.constant 0 : i32
      %dma_wait3A_100 = tpu.memref_slice %arg17[%add3A_19, %dma_wait3A] : memref<10240x16xf32, #tpu.memory_space<vmem_shared>> -> memref<80x16xf32, #tpu.memory_space<vmem_shared>>
      %dma_wait3A_101 = arith.constant 0 : i32
      %dma_wait3A_102 = tpu.memref_slice %arg17[%add3A_19, %dma_wait3A_101] : memref<10240x16xf32, #tpu.memory_space<vmem_shared>> -> memref<80x16xf32, #tpu.memory_space<vmem_shared>>
      tpu.wait_dma2 semaphore(%run_scoped3A : memref<!tpu.dma_semaphore, #tpu.memory_space<semaphore_mem>>) src(%arg15 : memref<80x16xf32, #tpu.memory_space<vmem>>) dst(%dma_wait3A_102 : memref<80x16xf32, #tpu.memory_space<vmem_shared>>)
      tpu.yield
    }) : () -> ()
    %mul3A_20 = arith.constant 640 : i32
    %mul3A_21 = arith.muli %arg1, %mul3A_20 : i32
    %add3A_22 = arith.constant 80 : i32
    %add3A_23 = arith.addi %mul3A_21, %add3A_22 : i32
    "tpu.region"() ({
      %run_scoped3A = tpu.sem_alloc : memref<!tpu.dma_semaphore, #tpu.memory_space<semaphore_mem>>
      %dma_start3A = arith.constant 0 : i32
      %dma_start3A_97 = tpu.memref_slice %arg16[%add3A_23, %dma_start3A] : memref<10240x128xf32, #tpu.memory_space<vmem_shared>> -> memref<80x128xf32, #tpu.memory_space<vmem_shared>>
      %dma_start3A_98 = arith.constant 0 : i32
      %dma_start3A_99 = tpu.memref_slice %arg16[%add3A_23, %dma_start3A_98] : memref<10240x128xf32, #tpu.memory_space<vmem_shared>> -> memref<80x128xf32, #tpu.memory_space<vmem_shared>>
      tpu.enqueue_dma source(%arg12 : memref<80x128xf32, #tpu.memory_space<vmem>>) target(%dma_start3A_99 : memref<80x128xf32, #tpu.memory_space<vmem_shared>>) target_semaphore(%run_scoped3A : memref<!tpu.dma_semaphore, #tpu.memory_space<semaphore_mem>>)
      %dma_wait3A = arith.constant 0 : i32
      %dma_wait3A_100 = tpu.memref_slice %arg16[%add3A_23, %dma_wait3A] : memref<10240x128xf32, #tpu.memory_space<vmem_shared>> -> memref<80x128xf32, #tpu.memory_space<vmem_shared>>
      %dma_wait3A_101 = arith.constant 0 : i32
      %dma_wait3A_102 = tpu.memref_slice %arg16[%add3A_23, %dma_wait3A_101] : memref<10240x128xf32, #tpu.memory_space<vmem_shared>> -> memref<80x128xf32, #tpu.memory_space<vmem_shared>>
      tpu.wait_dma2 semaphore(%run_scoped3A : memref<!tpu.dma_semaphore, #tpu.memory_space<semaphore_mem>>) src(%arg12 : memref<80x128xf32, #tpu.memory_space<vmem>>) dst(%dma_wait3A_102 : memref<80x128xf32, #tpu.memory_space<vmem_shared>>)
      tpu.yield
    }) : () -> ()
    %mul3A_24 = arith.constant 640 : i32
    %mul3A_25 = arith.muli %arg1, %mul3A_24 : i32
    %add3A_26 = arith.constant 80 : i32
    %add3A_27 = arith.addi %mul3A_25, %add3A_26 : i32
    "tpu.region"() ({
      %run_scoped3A = tpu.sem_alloc : memref<!tpu.dma_semaphore, #tpu.memory_space<semaphore_mem>>
      %dma_start3A = arith.constant 0 : i32
      %dma_start3A_97 = tpu.memref_slice %arg17[%add3A_27, %dma_start3A] : memref<10240x16xf32, #tpu.memory_space<vmem_shared>> -> memref<80x16xf32, #tpu.memory_space<vmem_shared>>
      %dma_start3A_98 = arith.constant 0 : i32
      %dma_start3A_99 = tpu.memref_slice %arg17[%add3A_27, %dma_start3A_98] : memref<10240x16xf32, #tpu.memory_space<vmem_shared>> -> memref<80x16xf32, #tpu.memory_space<vmem_shared>>
      tpu.enqueue_dma source(%arg15 : memref<80x16xf32, #tpu.memory_space<vmem>>) target(%dma_start3A_99 : memref<80x16xf32, #tpu.memory_space<vmem_shared>>) target_semaphore(%run_scoped3A : memref<!tpu.dma_semaphore, #tpu.memory_space<semaphore_mem>>)
      %dma_wait3A = arith.constant 0 : i32
      %dma_wait3A_100 = tpu.memref_slice %arg17[%add3A_27, %dma_wait3A] : memref<10240x16xf32, #tpu.memory_space<vmem_shared>> -> memref<80x16xf32, #tpu.memory_space<vmem_shared>>
      %dma_wait3A_101 = arith.constant 0 : i32
      %dma_wait3A_102 = tpu.memref_slice %arg17[%add3A_27, %dma_wait3A_101] : memref<10240x16xf32, #tpu.memory_space<vmem_shared>> -> memref<80x16xf32, #tpu.memory_space<vmem_shared>>
      tpu.wait_dma2 semaphore(%run_scoped3A : memref<!tpu.dma_semaphore, #tpu.memory_space<semaphore_mem>>) src(%arg15 : memref<80x16xf32, #tpu.memory_space<vmem>>) dst(%dma_wait3A_102 : memref<80x16xf32, #tpu.memory_space<vmem_shared>>)
      tpu.yield
    }) : () -> ()
    %mul3A_28 = arith.constant 640 : i32
    %mul3A_29 = arith.muli %arg1, %mul3A_28 : i32
    %add3A_30 = arith.constant 160 : i32
    %add3A_31 = arith.addi %mul3A_29, %add3A_30 : i32
    "tpu.region"() ({
      %run_scoped3A = tpu.sem_alloc : memref<!tpu.dma_semaphore, #tpu.memory_space<semaphore_mem>>
      %dma_start3A = arith.constant 0 : i32
      %dma_start3A_97 = tpu.memref_slice %arg16[%add3A_31, %dma_start3A] : memref<10240x128xf32, #tpu.memory_space<vmem_shared>> -> memref<80x128xf32, #tpu.memory_space<vmem_shared>>
      %dma_start3A_98 = arith.constant 0 : i32
      %dma_start3A_99 = tpu.memref_slice %arg16[%add3A_31, %dma_start3A_98] : memref<10240x128xf32, #tpu.memory_space<vmem_shared>> -> memref<80x128xf32, #tpu.memory_space<vmem_shared>>
      tpu.enqueue_dma source(%arg12 : memref<80x128xf32, #tpu.memory_space<vmem>>) target(%dma_start3A_99 : memref<80x128xf32, #tpu.memory_space<vmem_shared>>) target_semaphore(%run_scoped3A : memref<!tpu.dma_semaphore, #tpu.memory_space<semaphore_mem>>)
      %dma_wait3A = arith.constant 0 : i32
      %dma_wait3A_100 = tpu.memref_slice %arg16[%add3A_31, %dma_wait3A] : memref<10240x128xf32, #tpu.memory_space<vmem_shared>> -> memref<80x128xf32, #tpu.memory_space<vmem_shared>>
      %dma_wait3A_101 = arith.constant 0 : i32
      %dma_wait3A_102 = tpu.memref_slice %arg16[%add3A_31, %dma_wait3A_101] : memref<10240x128xf32, #tpu.memory_space<vmem_shared>> -> memref<80x128xf32, #tpu.memory_space<vmem_shared>>
      tpu.wait_dma2 semaphore(%run_scoped3A : memref<!tpu.dma_semaphore, #tpu.memory_space<semaphore_mem>>) src(%arg12 : memref<80x128xf32, #tpu.memory_space<vmem>>) dst(%dma_wait3A_102 : memref<80x128xf32, #tpu.memory_space<vmem_shared>>)
      tpu.yield
    }) : () -> ()
    %mul3A_32 = arith.constant 640 : i32
    %mul3A_33 = arith.muli %arg1, %mul3A_32 : i32
    %add3A_34 = arith.constant 160 : i32
    %add3A_35 = arith.addi %mul3A_33, %add3A_34 : i32
    "tpu.region"() ({
      %run_scoped3A = tpu.sem_alloc : memref<!tpu.dma_semaphore, #tpu.memory_space<semaphore_mem>>
      %dma_start3A = arith.constant 0 : i32
      %dma_start3A_97 = tpu.memref_slice %arg17[%add3A_35, %dma_start3A] : memref<10240x16xf32, #tpu.memory_space<vmem_shared>> -> memref<80x16xf32, #tpu.memory_space<vmem_shared>>
      %dma_start3A_98 = arith.constant 0 : i32
      %dma_start3A_99 = tpu.memref_slice %arg17[%add3A_35, %dma_start3A_98] : memref<10240x16xf32, #tpu.memory_space<vmem_shared>> -> memref<80x16xf32, #tpu.memory_space<vmem_shared>>
      tpu.enqueue_dma source(%arg15 : memref<80x16xf32, #tpu.memory_space<vmem>>) target(%dma_start3A_99 : memref<80x16xf32, #tpu.memory_space<vmem_shared>>) target_semaphore(%run_scoped3A : memref<!tpu.dma_semaphore, #tpu.memory_space<semaphore_mem>>)
      %dma_wait3A = arith.constant 0 : i32
      %dma_wait3A_100 = tpu.memref_slice %arg17[%add3A_35, %dma_wait3A] : memref<10240x16xf32, #tpu.memory_space<vmem_shared>> -> memref<80x16xf32, #tpu.memory_space<vmem_shared>>
      %dma_wait3A_101 = arith.constant 0 : i32
      %dma_wait3A_102 = tpu.memref_slice %arg17[%add3A_35, %dma_wait3A_101] : memref<10240x16xf32, #tpu.memory_space<vmem_shared>> -> memref<80x16xf32, #tpu.memory_space<vmem_shared>>
      tpu.wait_dma2 semaphore(%run_scoped3A : memref<!tpu.dma_semaphore, #tpu.memory_space<semaphore_mem>>) src(%arg15 : memref<80x16xf32, #tpu.memory_space<vmem>>) dst(%dma_wait3A_102 : memref<80x16xf32, #tpu.memory_space<vmem_shared>>)
      tpu.yield
    }) : () -> ()
    %mul3A_36 = arith.constant 640 : i32
    %mul3A_37 = arith.muli %arg1, %mul3A_36 : i32
    %add3A_38 = arith.constant 240 : i32
    %add3A_39 = arith.addi %mul3A_37, %add3A_38 : i32
    "tpu.region"() ({
      %run_scoped3A = tpu.sem_alloc : memref<!tpu.dma_semaphore, #tpu.memory_space<semaphore_mem>>
      %dma_start3A = arith.constant 0 : i32
      %dma_start3A_97 = tpu.memref_slice %arg16[%add3A_39, %dma_start3A] : memref<10240x128xf32, #tpu.memory_space<vmem_shared>> -> memref<80x128xf32, #tpu.memory_space<vmem_shared>>
      %dma_start3A_98 = arith.constant 0 : i32
      %dma_start3A_99 = tpu.memref_slice %arg16[%add3A_39, %dma_start3A_98] : memref<10240x128xf32, #tpu.memory_space<vmem_shared>> -> memref<80x128xf32, #tpu.memory_space<vmem_shared>>
      tpu.enqueue_dma source(%arg12 : memref<80x128xf32, #tpu.memory_space<vmem>>) target(%dma_start3A_99 : memref<80x128xf32, #tpu.memory_space<vmem_shared>>) target_semaphore(%run_scoped3A : memref<!tpu.dma_semaphore, #tpu.memory_space<semaphore_mem>>)
      %dma_wait3A = arith.constant 0 : i32
      %dma_wait3A_100 = tpu.memref_slice %arg16[%add3A_39, %dma_wait3A] : memref<10240x128xf32, #tpu.memory_space<vmem_shared>> -> memref<80x128xf32, #tpu.memory_space<vmem_shared>>
      %dma_wait3A_101 = arith.constant 0 : i32
      %dma_wait3A_102 = tpu.memref_slice %arg16[%add3A_39, %dma_wait3A_101] : memref<10240x128xf32, #tpu.memory_space<vmem_shared>> -> memref<80x128xf32, #tpu.memory_space<vmem_shared>>
      tpu.wait_dma2 semaphore(%run_scoped3A : memref<!tpu.dma_semaphore, #tpu.memory_space<semaphore_mem>>) src(%arg12 : memref<80x128xf32, #tpu.memory_space<vmem>>) dst(%dma_wait3A_102 : memref<80x128xf32, #tpu.memory_space<vmem_shared>>)
      tpu.yield
    }) : () -> ()
    %mul3A_40 = arith.constant 640 : i32
    %mul3A_41 = arith.muli %arg1, %mul3A_40 : i32
    %add3A_42 = arith.constant 240 : i32
    %add3A_43 = arith.addi %mul3A_41, %add3A_42 : i32
    "tpu.region"() ({
      %run_scoped3A = tpu.sem_alloc : memref<!tpu.dma_semaphore, #tpu.memory_space<semaphore_mem>>
      %dma_start3A = arith.constant 0 : i32
      %dma_start3A_97 = tpu.memref_slice %arg17[%add3A_43, %dma_start3A] : memref<10240x16xf32, #tpu.memory_space<vmem_shared>> -> memref<80x16xf32, #tpu.memory_space<vmem_shared>>
      %dma_start3A_98 = arith.constant 0 : i32
      %dma_start3A_99 = tpu.memref_slice %arg17[%add3A_43, %dma_start3A_98] : memref<10240x16xf32, #tpu.memory_space<vmem_shared>> -> memref<80x16xf32, #tpu.memory_space<vmem_shared>>
      tpu.enqueue_dma source(%arg15 : memref<80x16xf32, #tpu.memory_space<vmem>>) target(%dma_start3A_99 : memref<80x16xf32, #tpu.memory_space<vmem_shared>>) target_semaphore(%run_scoped3A : memref<!tpu.dma_semaphore, #tpu.memory_space<semaphore_mem>>)
      %dma_wait3A = arith.constant 0 : i32
      %dma_wait3A_100 = tpu.memref_slice %arg17[%add3A_43, %dma_wait3A] : memref<10240x16xf32, #tpu.memory_space<vmem_shared>> -> memref<80x16xf32, #tpu.memory_space<vmem_shared>>
      %dma_wait3A_101 = arith.constant 0 : i32
      %dma_wait3A_102 = tpu.memref_slice %arg17[%add3A_43, %dma_wait3A_101] : memref<10240x16xf32, #tpu.memory_space<vmem_shared>> -> memref<80x16xf32, #tpu.memory_space<vmem_shared>>
      tpu.wait_dma2 semaphore(%run_scoped3A : memref<!tpu.dma_semaphore, #tpu.memory_space<semaphore_mem>>) src(%arg15 : memref<80x16xf32, #tpu.memory_space<vmem>>) dst(%dma_wait3A_102 : memref<80x16xf32, #tpu.memory_space<vmem_shared>>)
      tpu.yield
    }) : () -> ()
    %mul3A_44 = arith.constant 640 : i32
    %mul3A_45 = arith.muli %arg1, %mul3A_44 : i32
    %add3A_46 = arith.constant 320 : i32
    %add3A_47 = arith.addi %mul3A_45, %add3A_46 : i32
    "tpu.region"() ({
      %run_scoped3A = tpu.sem_alloc : memref<!tpu.dma_semaphore, #tpu.memory_space<semaphore_mem>>
      %dma_start3A = arith.constant 0 : i32
      %dma_start3A_97 = tpu.memref_slice %arg16[%add3A_47, %dma_start3A] : memref<10240x128xf32, #tpu.memory_space<vmem_shared>> -> memref<80x128xf32, #tpu.memory_space<vmem_shared>>
      %dma_start3A_98 = arith.constant 0 : i32
      %dma_start3A_99 = tpu.memref_slice %arg16[%add3A_47, %dma_start3A_98] : memref<10240x128xf32, #tpu.memory_space<vmem_shared>> -> memref<80x128xf32, #tpu.memory_space<vmem_shared>>
      tpu.enqueue_dma source(%arg12 : memref<80x128xf32, #tpu.memory_space<vmem>>) target(%dma_start3A_99 : memref<80x128xf32, #tpu.memory_space<vmem_shared>>) target_semaphore(%run_scoped3A : memref<!tpu.dma_semaphore, #tpu.memory_space<semaphore_mem>>)
      %dma_wait3A = arith.constant 0 : i32
      %dma_wait3A_100 = tpu.memref_slice %arg16[%add3A_47, %dma_wait3A] : memref<10240x128xf32, #tpu.memory_space<vmem_shared>> -> memref<80x128xf32, #tpu.memory_space<vmem_shared>>
      %dma_wait3A_101 = arith.constant 0 : i32
      %dma_wait3A_102 = tpu.memref_slice %arg16[%add3A_47, %dma_wait3A_101] : memref<10240x128xf32, #tpu.memory_space<vmem_shared>> -> memref<80x128xf32, #tpu.memory_space<vmem_shared>>
      tpu.wait_dma2 semaphore(%run_scoped3A : memref<!tpu.dma_semaphore, #tpu.memory_space<semaphore_mem>>) src(%arg12 : memref<80x128xf32, #tpu.memory_space<vmem>>) dst(%dma_wait3A_102 : memref<80x128xf32, #tpu.memory_space<vmem_shared>>)
      tpu.yield
    }) : () -> ()
    %mul3A_48 = arith.constant 640 : i32
    %mul3A_49 = arith.muli %arg1, %mul3A_48 : i32
    %add3A_50 = arith.constant 320 : i32
    %add3A_51 = arith.addi %mul3A_49, %add3A_50 : i32
    "tpu.region"() ({
      %run_scoped3A = tpu.sem_alloc : memref<!tpu.dma_semaphore, #tpu.memory_space<semaphore_mem>>
      %dma_start3A = arith.constant 0 : i32
      %dma_start3A_97 = tpu.memref_slice %arg17[%add3A_51, %dma_start3A] : memref<10240x16xf32, #tpu.memory_space<vmem_shared>> -> memref<80x16xf32, #tpu.memory_space<vmem_shared>>
      %dma_start3A_98 = arith.constant 0 : i32
      %dma_start3A_99 = tpu.memref_slice %arg17[%add3A_51, %dma_start3A_98] : memref<10240x16xf32, #tpu.memory_space<vmem_shared>> -> memref<80x16xf32, #tpu.memory_space<vmem_shared>>
      tpu.enqueue_dma source(%arg15 : memref<80x16xf32, #tpu.memory_space<vmem>>) target(%dma_start3A_99 : memref<80x16xf32, #tpu.memory_space<vmem_shared>>) target_semaphore(%run_scoped3A : memref<!tpu.dma_semaphore, #tpu.memory_space<semaphore_mem>>)
      %dma_wait3A = arith.constant 0 : i32
      %dma_wait3A_100 = tpu.memref_slice %arg17[%add3A_51, %dma_wait3A] : memref<10240x16xf32, #tpu.memory_space<vmem_shared>> -> memref<80x16xf32, #tpu.memory_space<vmem_shared>>
      %dma_wait3A_101 = arith.constant 0 : i32
      %dma_wait3A_102 = tpu.memref_slice %arg17[%add3A_51, %dma_wait3A_101] : memref<10240x16xf32, #tpu.memory_space<vmem_shared>> -> memref<80x16xf32, #tpu.memory_space<vmem_shared>>
      tpu.wait_dma2 semaphore(%run_scoped3A : memref<!tpu.dma_semaphore, #tpu.memory_space<semaphore_mem>>) src(%arg15 : memref<80x16xf32, #tpu.memory_space<vmem>>) dst(%dma_wait3A_102 : memref<80x16xf32, #tpu.memory_space<vmem_shared>>)
      tpu.yield
    }) : () -> ()
    %mul3A_52 = arith.constant 640 : i32
    %mul3A_53 = arith.muli %arg1, %mul3A_52 : i32
    %add3A_54 = arith.constant 400 : i32
    %add3A_55 = arith.addi %mul3A_53, %add3A_54 : i32
    "tpu.region"() ({
      %run_scoped3A = tpu.sem_alloc : memref<!tpu.dma_semaphore, #tpu.memory_space<semaphore_mem>>
      %dma_start3A = arith.constant 0 : i32
      %dma_start3A_97 = tpu.memref_slice %arg16[%add3A_55, %dma_start3A] : memref<10240x128xf32, #tpu.memory_space<vmem_shared>> -> memref<80x128xf32, #tpu.memory_space<vmem_shared>>
      %dma_start3A_98 = arith.constant 0 : i32
      %dma_start3A_99 = tpu.memref_slice %arg16[%add3A_55, %dma_start3A_98] : memref<10240x128xf32, #tpu.memory_space<vmem_shared>> -> memref<80x128xf32, #tpu.memory_space<vmem_shared>>
      tpu.enqueue_dma source(%arg12 : memref<80x128xf32, #tpu.memory_space<vmem>>) target(%dma_start3A_99 : memref<80x128xf32, #tpu.memory_space<vmem_shared>>) target_semaphore(%run_scoped3A : memref<!tpu.dma_semaphore, #tpu.memory_space<semaphore_mem>>)
      %dma_wait3A = arith.constant 0 : i32
      %dma_wait3A_100 = tpu.memref_slice %arg16[%add3A_55, %dma_wait3A] : memref<10240x128xf32, #tpu.memory_space<vmem_shared>> -> memref<80x128xf32, #tpu.memory_space<vmem_shared>>
      %dma_wait3A_101 = arith.constant 0 : i32
      %dma_wait3A_102 = tpu.memref_slice %arg16[%add3A_55, %dma_wait3A_101] : memref<10240x128xf32, #tpu.memory_space<vmem_shared>> -> memref<80x128xf32, #tpu.memory_space<vmem_shared>>
      tpu.wait_dma2 semaphore(%run_scoped3A : memref<!tpu.dma_semaphore, #tpu.memory_space<semaphore_mem>>) src(%arg12 : memref<80x128xf32, #tpu.memory_space<vmem>>) dst(%dma_wait3A_102 : memref<80x128xf32, #tpu.memory_space<vmem_shared>>)
      tpu.yield
    }) : () -> ()
    %mul3A_56 = arith.constant 640 : i32
    %mul3A_57 = arith.muli %arg1, %mul3A_56 : i32
    %add3A_58 = arith.constant 400 : i32
    %add3A_59 = arith.addi %mul3A_57, %add3A_58 : i32
    "tpu.region"() ({
      %run_scoped3A = tpu.sem_alloc : memref<!tpu.dma_semaphore, #tpu.memory_space<semaphore_mem>>
      %dma_start3A = arith.constant 0 : i32
      %dma_start3A_97 = tpu.memref_slice %arg17[%add3A_59, %dma_start3A] : memref<10240x16xf32, #tpu.memory_space<vmem_shared>> -> memref<80x16xf32, #tpu.memory_space<vmem_shared>>
      %dma_start3A_98 = arith.constant 0 : i32
      %dma_start3A_99 = tpu.memref_slice %arg17[%add3A_59, %dma_start3A_98] : memref<10240x16xf32, #tpu.memory_space<vmem_shared>> -> memref<80x16xf32, #tpu.memory_space<vmem_shared>>
      tpu.enqueue_dma source(%arg15 : memref<80x16xf32, #tpu.memory_space<vmem>>) target(%dma_start3A_99 : memref<80x16xf32, #tpu.memory_space<vmem_shared>>) target_semaphore(%run_scoped3A : memref<!tpu.dma_semaphore, #tpu.memory_space<semaphore_mem>>)
      %dma_wait3A = arith.constant 0 : i32
      %dma_wait3A_100 = tpu.memref_slice %arg17[%add3A_59, %dma_wait3A] : memref<10240x16xf32, #tpu.memory_space<vmem_shared>> -> memref<80x16xf32, #tpu.memory_space<vmem_shared>>
      %dma_wait3A_101 = arith.constant 0 : i32
      %dma_wait3A_102 = tpu.memref_slice %arg17[%add3A_59, %dma_wait3A_101] : memref<10240x16xf32, #tpu.memory_space<vmem_shared>> -> memref<80x16xf32, #tpu.memory_space<vmem_shared>>
      tpu.wait_dma2 semaphore(%run_scoped3A : memref<!tpu.dma_semaphore, #tpu.memory_space<semaphore_mem>>) src(%arg15 : memref<80x16xf32, #tpu.memory_space<vmem>>) dst(%dma_wait3A_102 : memref<80x16xf32, #tpu.memory_space<vmem_shared>>)
      tpu.yield
    }) : () -> ()
    %mul3A_60 = arith.constant 640 : i32
    %mul3A_61 = arith.muli %arg1, %mul3A_60 : i32
    %add3A_62 = arith.constant 480 : i32
    %add3A_63 = arith.addi %mul3A_61, %add3A_62 : i32
    "tpu.region"() ({
      %run_scoped3A = tpu.sem_alloc : memref<!tpu.dma_semaphore, #tpu.memory_space<semaphore_mem>>
      %dma_start3A = arith.constant 0 : i32
      %dma_start3A_97 = tpu.memref_slice %arg16[%add3A_63, %dma_start3A] : memref<10240x128xf32, #tpu.memory_space<vmem_shared>> -> memref<80x128xf32, #tpu.memory_space<vmem_shared>>
      %dma_start3A_98 = arith.constant 0 : i32
      %dma_start3A_99 = tpu.memref_slice %arg16[%add3A_63, %dma_start3A_98] : memref<10240x128xf32, #tpu.memory_space<vmem_shared>> -> memref<80x128xf32, #tpu.memory_space<vmem_shared>>
      tpu.enqueue_dma source(%arg12 : memref<80x128xf32, #tpu.memory_space<vmem>>) target(%dma_start3A_99 : memref<80x128xf32, #tpu.memory_space<vmem_shared>>) target_semaphore(%run_scoped3A : memref<!tpu.dma_semaphore, #tpu.memory_space<semaphore_mem>>)
      %dma_wait3A = arith.constant 0 : i32
      %dma_wait3A_100 = tpu.memref_slice %arg16[%add3A_63, %dma_wait3A] : memref<10240x128xf32, #tpu.memory_space<vmem_shared>> -> memref<80x128xf32, #tpu.memory_space<vmem_shared>>
      %dma_wait3A_101 = arith.constant 0 : i32
      %dma_wait3A_102 = tpu.memref_slice %arg16[%add3A_63, %dma_wait3A_101] : memref<10240x128xf32, #tpu.memory_space<vmem_shared>> -> memref<80x128xf32, #tpu.memory_space<vmem_shared>>
      tpu.wait_dma2 semaphore(%run_scoped3A : memref<!tpu.dma_semaphore, #tpu.memory_space<semaphore_mem>>) src(%arg12 : memref<80x128xf32, #tpu.memory_space<vmem>>) dst(%dma_wait3A_102 : memref<80x128xf32, #tpu.memory_space<vmem_shared>>)
      tpu.yield
    }) : () -> ()
    %mul3A_64 = arith.constant 640 : i32
    %mul3A_65 = arith.muli %arg1, %mul3A_64 : i32
    %add3A_66 = arith.constant 480 : i32
    %add3A_67 = arith.addi %mul3A_65, %add3A_66 : i32
    "tpu.region"() ({
      %run_scoped3A = tpu.sem_alloc : memref<!tpu.dma_semaphore, #tpu.memory_space<semaphore_mem>>
      %dma_start3A = arith.constant 0 : i32
      %dma_start3A_97 = tpu.memref_slice %arg17[%add3A_67, %dma_start3A] : memref<10240x16xf32, #tpu.memory_space<vmem_shared>> -> memref<80x16xf32, #tpu.memory_space<vmem_shared>>
      %dma_start3A_98 = arith.constant 0 : i32
      %dma_start3A_99 = tpu.memref_slice %arg17[%add3A_67, %dma_start3A_98] : memref<10240x16xf32, #tpu.memory_space<vmem_shared>> -> memref<80x16xf32, #tpu.memory_space<vmem_shared>>
      tpu.enqueue_dma source(%arg15 : memref<80x16xf32, #tpu.memory_space<vmem>>) target(%dma_start3A_99 : memref<80x16xf32, #tpu.memory_space<vmem_shared>>) target_semaphore(%run_scoped3A : memref<!tpu.dma_semaphore, #tpu.memory_space<semaphore_mem>>)
      %dma_wait3A = arith.constant 0 : i32
      %dma_wait3A_100 = tpu.memref_slice %arg17[%add3A_67, %dma_wait3A] : memref<10240x16xf32, #tpu.memory_space<vmem_shared>> -> memref<80x16xf32, #tpu.memory_space<vmem_shared>>
      %dma_wait3A_101 = arith.constant 0 : i32
      %dma_wait3A_102 = tpu.memref_slice %arg17[%add3A_67, %dma_wait3A_101] : memref<10240x16xf32, #tpu.memory_space<vmem_shared>> -> memref<80x16xf32, #tpu.memory_space<vmem_shared>>
      tpu.wait_dma2 semaphore(%run_scoped3A : memref<!tpu.dma_semaphore, #tpu.memory_space<semaphore_mem>>) src(%arg15 : memref<80x16xf32, #tpu.memory_space<vmem>>) dst(%dma_wait3A_102 : memref<80x16xf32, #tpu.memory_space<vmem_shared>>)
      tpu.yield
    }) : () -> ()
    %mul3A_68 = arith.constant 640 : i32
    %mul3A_69 = arith.muli %arg1, %mul3A_68 : i32
    %add3A_70 = arith.constant 560 : i32
    %add3A_71 = arith.addi %mul3A_69, %add3A_70 : i32
    "tpu.region"() ({
      %run_scoped3A = tpu.sem_alloc : memref<!tpu.dma_semaphore, #tpu.memory_space<semaphore_mem>>
      %dma_start3A = arith.constant 0 : i32
      %dma_start3A_97 = tpu.memref_slice %arg16[%add3A_71, %dma_start3A] : memref<10240x128xf32, #tpu.memory_space<vmem_shared>> -> memref<80x128xf32, #tpu.memory_space<vmem_shared>>
      %dma_start3A_98 = arith.constant 0 : i32
      %dma_start3A_99 = tpu.memref_slice %arg16[%add3A_71, %dma_start3A_98] : memref<10240x128xf32, #tpu.memory_space<vmem_shared>> -> memref<80x128xf32, #tpu.memory_space<vmem_shared>>
      tpu.enqueue_dma source(%arg12 : memref<80x128xf32, #tpu.memory_space<vmem>>) target(%dma_start3A_99 : memref<80x128xf32, #tpu.memory_space<vmem_shared>>) target_semaphore(%run_scoped3A : memref<!tpu.dma_semaphore, #tpu.memory_space<semaphore_mem>>)
      %dma_wait3A = arith.constant 0 : i32
      %dma_wait3A_100 = tpu.memref_slice %arg16[%add3A_71, %dma_wait3A] : memref<10240x128xf32, #tpu.memory_space<vmem_shared>> -> memref<80x128xf32, #tpu.memory_space<vmem_shared>>
      %dma_wait3A_101 = arith.constant 0 : i32
      %dma_wait3A_102 = tpu.memref_slice %arg16[%add3A_71, %dma_wait3A_101] : memref<10240x128xf32, #tpu.memory_space<vmem_shared>> -> memref<80x128xf32, #tpu.memory_space<vmem_shared>>
      tpu.wait_dma2 semaphore(%run_scoped3A : memref<!tpu.dma_semaphore, #tpu.memory_space<semaphore_mem>>) src(%arg12 : memref<80x128xf32, #tpu.memory_space<vmem>>) dst(%dma_wait3A_102 : memref<80x128xf32, #tpu.memory_space<vmem_shared>>)
      tpu.yield
    }) : () -> ()
    %mul3A_72 = arith.constant 640 : i32
    %mul3A_73 = arith.muli %arg1, %mul3A_72 : i32
    %add3A_74 = arith.constant 560 : i32
    %add3A_75 = arith.addi %mul3A_73, %add3A_74 : i32
    "tpu.region"() ({
      %run_scoped3A = tpu.sem_alloc : memref<!tpu.dma_semaphore, #tpu.memory_space<semaphore_mem>>
      %dma_start3A = arith.constant 0 : i32
      %dma_start3A_97 = tpu.memref_slice %arg17[%add3A_75, %dma_start3A] : memref<10240x16xf32, #tpu.memory_space<vmem_shared>> -> memref<80x16xf32, #tpu.memory_space<vmem_shared>>
      %dma_start3A_98 = arith.constant 0 : i32
      %dma_start3A_99 = tpu.memref_slice %arg17[%add3A_75, %dma_start3A_98] : memref<10240x16xf32, #tpu.memory_space<vmem_shared>> -> memref<80x16xf32, #tpu.memory_space<vmem_shared>>
      tpu.enqueue_dma source(%arg15 : memref<80x16xf32, #tpu.memory_space<vmem>>) target(%dma_start3A_99 : memref<80x16xf32, #tpu.memory_space<vmem_shared>>) target_semaphore(%run_scoped3A : memref<!tpu.dma_semaphore, #tpu.memory_space<semaphore_mem>>)
      %dma_wait3A = arith.constant 0 : i32
      %dma_wait3A_100 = tpu.memref_slice %arg17[%add3A_75, %dma_wait3A] : memref<10240x16xf32, #tpu.memory_space<vmem_shared>> -> memref<80x16xf32, #tpu.memory_space<vmem_shared>>
      %dma_wait3A_101 = arith.constant 0 : i32
      %dma_wait3A_102 = tpu.memref_slice %arg17[%add3A_75, %dma_wait3A_101] : memref<10240x16xf32, #tpu.memory_space<vmem_shared>> -> memref<80x16xf32, #tpu.memory_space<vmem_shared>>
      tpu.wait_dma2 semaphore(%run_scoped3A : memref<!tpu.dma_semaphore, #tpu.memory_space<semaphore_mem>>) src(%arg15 : memref<80x16xf32, #tpu.memory_space<vmem>>) dst(%dma_wait3A_102 : memref<80x16xf32, #tpu.memory_space<vmem_shared>>)
      tpu.yield
    }) : () -> ()
    %barrier3A = arith.constant 0 : index
    tpu.barrier barrier_id(%barrier3A)
    %broadcast_in_dim3A_76 = arith.constant 0 : i32
    %broadcast_in_dim3A_77 = vector.broadcast %broadcast_in_dim3A_76 : i32 to vector<16xi32>
    %mul3A_78 = arith.constant 10000 : i32
    %mul3A_79 = arith.muli %arg0, %mul3A_78 : i32
    %add3A_80 = vector.broadcast %mul3A_79 : i32 to vector<16xi32>
    %add3A_81 = arith.addi %broadcast_in_dim3A_77, %add3A_80 : vector<16xi32>
    %scan3A_82 = arith.constant 0 : i32
    %scan3A_83 = arith.constant 0 : i32
    %scan3A_84 = arith.constant 250 : i32
    %scan3A_85 = arith.addi %scan3A_83, %scan3A_84 : i32
    %scan3A_86 = arith.constant 1 : i32
    scf.for %scan3A_97 = %scan3A_83 to %scan3A_85 step %scan3A_86  : i32 {
      %mul3A_98 = arith.constant 20000 : i32
      %mul3A_99 = arith.muli %arg1, %mul3A_98 : i32
      %mul3A_100 = arith.constant 80 : i32
      %mul3A_101 = arith.muli %scan3A_97, %mul3A_100 : i32
      %add3A_102 = arith.addi %mul3A_99, %mul3A_101 : i32
      "tpu.region"() ({
        %run_scoped3A = tpu.sem_alloc : memref<!tpu.dma_semaphore, #tpu.memory_space<semaphore_mem>>
        %dma_start3A_156 = tpu.memref_slice %arg4[%add3A_102] : memref<320000xi32, #tpu.memory_space<hbm>> -> memref<80xi32, #tpu.memory_space<hbm>>
        %dma_start3A_157 = tpu.memref_slice %arg4[%add3A_102] : memref<320000xi32, #tpu.memory_space<hbm>> -> memref<80xi32, #tpu.memory_space<hbm>>
        tpu.enqueue_dma source(%dma_start3A_157 : memref<80xi32, #tpu.memory_space<hbm>>) target(%arg9 : memref<80xi32, #tpu.memory_space<vmem>>) target_semaphore(%run_scoped3A : memref<!tpu.dma_semaphore, #tpu.memory_space<semaphore_mem>>)
        %dma_wait3A_158 = tpu.memref_slice %arg4[%add3A_102] : memref<320000xi32, #tpu.memory_space<hbm>> -> memref<80xi32, #tpu.memory_space<hbm>>
        %dma_wait3A_159 = tpu.memref_slice %arg4[%add3A_102] : memref<320000xi32, #tpu.memory_space<hbm>> -> memref<80xi32, #tpu.memory_space<hbm>>
        tpu.wait_dma2 semaphore(%run_scoped3A : memref<!tpu.dma_semaphore, #tpu.memory_space<semaphore_mem>>) src(%dma_wait3A_159 : memref<80xi32, #tpu.memory_space<hbm>>) dst(%arg9 : memref<80xi32, #tpu.memory_space<vmem>>)
        tpu.yield
      }) : () -> ()
      "tpu.region"() ({
        %run_scoped3A = tpu.sem_alloc : memref<!tpu.dma_semaphore, #tpu.memory_space<semaphore_mem>>
        %dma_start3A_156 = tpu.memref_slice %arg5[%add3A_102] : memref<320000xi32, #tpu.memory_space<hbm>> -> memref<80xi32, #tpu.memory_space<hbm>>
        %dma_start3A_157 = tpu.memref_slice %arg5[%add3A_102] : memref<320000xi32, #tpu.memory_space<hbm>> -> memref<80xi32, #tpu.memory_space<hbm>>
        tpu.enqueue_dma source(%dma_start3A_157 : memref<80xi32, #tpu.memory_space<hbm>>) target(%arg10 : memref<80xi32, #tpu.memory_space<vmem>>) target_semaphore(%run_scoped3A : memref<!tpu.dma_semaphore, #tpu.memory_space<semaphore_mem>>)
        %dma_wait3A_158 = tpu.memref_slice %arg5[%add3A_102] : memref<320000xi32, #tpu.memory_space<hbm>> -> memref<80xi32, #tpu.memory_space<hbm>>
        %dma_wait3A_159 = tpu.memref_slice %arg5[%add3A_102] : memref<320000xi32, #tpu.memory_space<hbm>> -> memref<80xi32, #tpu.memory_space<hbm>>
        tpu.wait_dma2 semaphore(%run_scoped3A : memref<!tpu.dma_semaphore, #tpu.memory_space<semaphore_mem>>) src(%dma_wait3A_159 : memref<80xi32, #tpu.memory_space<hbm>>) dst(%arg10 : memref<80xi32, #tpu.memory_space<vmem>>)
        tpu.yield
      }) : () -> ()
      %get3A = arith.constant 0 : index
      %get3A_103 = tpu.vector_load %arg9[%get3A] {strides = array<i32>} : memref<80xi32, #tpu.memory_space<vmem>>, vector<16xi32>,
      %get3A_104 = vector.shape_cast %get3A_103 : vector<16xi32> to vector<16xi32>
      %add3A_105 = arith.addi %get3A_104, %add3A_81 : vector<16xi32>
      %swap3A = arith.constant 0 : index
      %swap3A_106 = tpu.vector_load %arg11[%swap3A] {strides = array<i32>} : memref<80xi32, #tpu.memory_space<vmem>>, vector<16xi32>,
      %swap3A_107 = vector.shape_cast %swap3A_106 : vector<16xi32> to vector<16xi32>
      %swap3A_108 = vector.shape_cast %add3A_105 : vector<16xi32> to vector<16xi32>
      tpu.vector_store %arg11[%swap3A], %swap3A_108 {strides = array<i32>} : memref<80xi32, #tpu.memory_space<vmem>>, vector<16xi32>,
      %get3A_109 = arith.constant 16 : index
      %get3A_110 = tpu.vector_load %arg9[%get3A_109] {strides = array<i32>} : memref<80xi32, #tpu.memory_space<vmem>>, vector<16xi32>,
      %get3A_111 = vector.shape_cast %get3A_110 : vector<16xi32> to vector<16xi32>
      %add3A_112 = arith.addi %get3A_111, %add3A_81 : vector<16xi32>
      %swap3A_113 = arith.constant 16 : index
      %swap3A_114 = tpu.vector_load %arg11[%swap3A_113] {strides = array<i32>} : memref<80xi32, #tpu.memory_space<vmem>>, vector<16xi32>,
      %swap3A_115 = vector.shape_cast %swap3A_114 : vector<16xi32> to vector<16xi32>
      %swap3A_116 = vector.shape_cast %add3A_112 : vector<16xi32> to vector<16xi32>
      tpu.vector_store %arg11[%swap3A_113], %swap3A_116 {strides = array<i32>} : memref<80xi32, #tpu.memory_space<vmem>>, vector<16xi32>,
      %get3A_117 = arith.constant 32 : index
      %get3A_118 = tpu.vector_load %arg9[%get3A_117] {strides = array<i32>} : memref<80xi32, #tpu.memory_space<vmem>>, vector<16xi32>,
      %get3A_119 = vector.shape_cast %get3A_118 : vector<16xi32> to vector<16xi32>
      %add3A_120 = arith.addi %get3A_119, %add3A_81 : vector<16xi32>
      %swap3A_121 = arith.constant 32 : index
      %swap3A_122 = tpu.vector_load %arg11[%swap3A_121] {strides = array<i32>} : memref<80xi32, #tpu.memory_space<vmem>>, vector<16xi32>,
      %swap3A_123 = vector.shape_cast %swap3A_122 : vector<16xi32> to vector<16xi32>
      %swap3A_124 = vector.shape_cast %add3A_120 : vector<16xi32> to vector<16xi32>
      tpu.vector_store %arg11[%swap3A_121], %swap3A_124 {strides = array<i32>} : memref<80xi32, #tpu.memory_space<vmem>>, vector<16xi32>,
      %get3A_125 = arith.constant 48 : index
      %get3A_126 = tpu.vector_load %arg9[%get3A_125] {strides = array<i32>} : memref<80xi32, #tpu.memory_space<vmem>>, vector<16xi32>,
      %get3A_127 = vector.shape_cast %get3A_126 : vector<16xi32> to vector<16xi32>
      %add3A_128 = arith.addi %get3A_127, %add3A_81 : vector<16xi32>
      %swap3A_129 = arith.constant 48 : index
      %swap3A_130 = tpu.vector_load %arg11[%swap3A_129] {strides = array<i32>} : memref<80xi32, #tpu.memory_space<vmem>>, vector<16xi32>,
      %swap3A_131 = vector.shape_cast %swap3A_130 : vector<16xi32> to vector<16xi32>
      %swap3A_132 = vector.shape_cast %add3A_128 : vector<16xi32> to vector<16xi32>
      tpu.vector_store %arg11[%swap3A_129], %swap3A_132 {strides = array<i32>} : memref<80xi32, #tpu.memory_space<vmem>>, vector<16xi32>,
      %get3A_133 = arith.constant 64 : index
      %get3A_134 = tpu.vector_load %arg9[%get3A_133] {strides = array<i32>} : memref<80xi32, #tpu.memory_space<vmem>>, vector<16xi32>,
      %get3A_135 = vector.shape_cast %get3A_134 : vector<16xi32> to vector<16xi32>
      %add3A_136 = arith.addi %get3A_135, %add3A_81 : vector<16xi32>
      %swap3A_137 = arith.constant 64 : index
      %swap3A_138 = tpu.vector_load %arg11[%swap3A_137] {strides = array<i32>} : memref<80xi32, #tpu.memory_space<vmem>>, vector<16xi32>,
      %swap3A_139 = vector.shape_cast %swap3A_138 : vector<16xi32> to vector<16xi32>
      %swap3A_140 = vector.shape_cast %add3A_136 : vector<16xi32> to vector<16xi32>
      tpu.vector_store %arg11[%swap3A_137], %swap3A_140 {strides = array<i32>} : memref<80xi32, #tpu.memory_space<vmem>>, vector<16xi32>,
      %dma_start3A = arith.constant 0 : i32
      %dma_start3A_141 = arith.constant 0 : i32
      %dma_start3A_142 = tpu.memref_slice %arg2[%dma_start3A, %dma_start3A_141] : memref<20000x128xf32, #tpu.memory_space<hbm>> -> memref<20000x128xf32, #tpu.memory_space<hbm>>
      tpu.enqueue_indirect_dma source(%dma_start3A_142 : memref<20000x128xf32, #tpu.memory_space<hbm>>) target(%arg12 : memref<80x128xf32, #tpu.memory_space<vmem>>) offsets(%arg11 : memref<80xi32, #tpu.memory_space<vmem>>) semaphore(%arg18 : memref<!tpu.dma_semaphore, #tpu.memory_space<semaphore_mem>>)
      %dma_wait3A = arith.constant 0 : i32
      %dma_wait3A_143 = arith.constant 0 : i32
      %dma_wait3A_144 = tpu.memref_slice %arg2[%dma_wait3A, %dma_wait3A_143] : memref<20000x128xf32, #tpu.memory_space<hbm>> -> memref<20000x128xf32, #tpu.memory_space<hbm>>
      tpu.wait_indirect_dma semaphore(%arg18 : memref<!tpu.dma_semaphore, #tpu.memory_space<semaphore_mem>>) src(%dma_wait3A_144 : memref<20000x128xf32, #tpu.memory_space<hbm>>) dst(%arg12 : memref<80x128xf32, #tpu.memory_space<vmem>>)
      %eq3A_145 = arith.constant 0 : i32
      %eq3A_146 = arith.cmpi eq, %arg0, %eq3A_145 : i32
      %convert_element_type3A_147 = arith.extui %eq3A_146 : i1 to i32
      %cond3A_148 = arith.constant 0 : i32
      %cond3A_149 = arith.cmpi ne, %convert_element_type3A_147, %cond3A_148 : i32
      scf.if %cond3A_149 {
        %dma_start3A_156 = arith.constant 0 : i32
        %dma_start3A_157 = arith.constant 0 : i32
        %dma_start3A_158 = tpu.memref_slice %arg3[%dma_start3A_156, %dma_start3A_157] : memref<20000x16xf32, #tpu.memory_space<hbm>> -> memref<20000x16xf32, #tpu.memory_space<hbm>>
        tpu.enqueue_indirect_dma source(%dma_start3A_158 : memref<20000x16xf32, #tpu.memory_space<hbm>>) target(%arg13 : memref<80x16xf32, #tpu.memory_space<vmem>>) offsets(%arg9 : memref<80xi32, #tpu.memory_space<vmem>>) semaphore(%arg18 : memref<!tpu.dma_semaphore, #tpu.memory_space<semaphore_mem>>)
        %dma_wait3A_159 = arith.constant 0 : i32
        %dma_wait3A_160 = arith.constant 0 : i32
        %dma_wait3A_161 = tpu.memref_slice %arg3[%dma_wait3A_159, %dma_wait3A_160] : memref<20000x16xf32, #tpu.memory_space<hbm>> -> memref<20000x16xf32, #tpu.memory_space<hbm>>
        tpu.wait_indirect_dma semaphore(%arg18 : memref<!tpu.dma_semaphore, #tpu.memory_space<semaphore_mem>>) src(%dma_wait3A_161 : memref<20000x16xf32, #tpu.memory_space<hbm>>) dst(%arg13 : memref<80x16xf32, #tpu.memory_space<vmem>>)
        %dma_start3A_162 = arith.constant 0 : i32
        %dma_start3A_163 = arith.constant 0 : i32
        %dma_start3A_164 = tpu.memref_slice %arg3[%dma_start3A_162, %dma_start3A_163] : memref<20000x16xf32, #tpu.memory_space<hbm>> -> memref<20000x16xf32, #tpu.memory_space<hbm>>
        tpu.enqueue_indirect_dma source(%dma_start3A_164 : memref<20000x16xf32, #tpu.memory_space<hbm>>) target(%arg14 : memref<80x16xf32, #tpu.memory_space<vmem>>) offsets(%arg10 : memref<80xi32, #tpu.memory_space<vmem>>) semaphore(%arg18 : memref<!tpu.dma_semaphore, #tpu.memory_space<semaphore_mem>>)
        %dma_wait3A_165 = arith.constant 0 : i32
        %dma_wait3A_166 = arith.constant 0 : i32
        %dma_wait3A_167 = tpu.memref_slice %arg3[%dma_wait3A_165, %dma_wait3A_166] : memref<20000x16xf32, #tpu.memory_space<hbm>> -> memref<20000x16xf32, #tpu.memory_space<hbm>>
        tpu.wait_indirect_dma semaphore(%arg18 : memref<!tpu.dma_semaphore, #tpu.memory_space<semaphore_mem>>) src(%dma_wait3A_167 : memref<20000x16xf32, #tpu.memory_space<hbm>>) dst(%arg14 : memref<80x16xf32, #tpu.memory_space<vmem>>)
      } else {
      }
      %scan3A_150 = arith.constant 0 : i32
      %scan3A_151 = arith.constant 0 : i32
      %scan3A_152 = arith.constant 80 : i32
      %scan3A_153 = arith.addi %scan3A_151, %scan3A_152 : i32
      %scan3A_154 = arith.constant 1 : i32
      scf.for %scan3A_156 = %scan3A_151 to %scan3A_153 step %scan3A_154  : i32 {
        %get3A_157 = arith.index_cast %scan3A_156 : i32 to index
        %get3A_158 = arith.constant 0 : index
        %get3A_159 = tpu.vector_load %arg13[%get3A_157, %get3A_158] {strides = array<i32>} : memref<80x16xf32, #tpu.memory_space<vmem>>, vector<1x16xf32>,
        %get3A_160 = vector.shape_cast %get3A_159 : vector<1x16xf32> to vector<16xf32>
        %get3A_161 = arith.index_cast %scan3A_156 : i32 to index
        %get3A_162 = arith.constant 0 : index
        %get3A_163 = tpu.vector_load %arg14[%get3A_161, %get3A_162] {strides = array<i32>} : memref<80x16xf32, #tpu.memory_space<vmem>>, vector<1x16xf32>,
        %get3A_164 = vector.shape_cast %get3A_163 : vector<1x16xf32> to vector<16xf32>
        %rev3A = arith.constant 15 : i32
        %rev3A_165 = vector.broadcast %rev3A : i32 to vector<16xi32>
        %rev3A_166 = tpu.iota {dimensions = array<i32: 0>} : vector<16xi32>
        %rev3A_167 = arith.subi %rev3A_165, %rev3A_166 : vector<16xi32>
        %rev3A_168 = tpu.dynamic_gather %get3A_164[%rev3A_167] in [0] : vector<16xf32>, vector<16xi32> -> vector<16xf32>
        %add3A_169 = arith.addf %get3A_160, %rev3A_168 : vector<16xf32>
        %mul3A_170 = arith.constant 2.000000e-01 : f32
        %mul3A_171 = vector.broadcast %mul3A_170 : f32 to vector<16xf32>
        %mul3A_172 = arith.mulf %add3A_169, %mul3A_171 : vector<16xf32>
        %max3A = arith.maximumf %add3A_169, %mul3A_172 : vector<16xf32>
        %exp3A = math.exp %max3A : vector<16xf32>
        %lt3A = arith.constant 4 : i32
        %lt3A_173 = vector.broadcast %lt3A : i32 to vector<16xi32>
        %lt3A_174 = arith.cmpi slt, %iota3A, %lt3A_173 : vector<16xi32>
        %eq3A_175 = arith.constant 4 : i32
        %eq3A_176 = vector.broadcast %eq3A_175 : i32 to vector<16xi32>
        %eq3A_177 = arith.cmpi eq, %iota3A, %eq3A_176 : vector<16xi32>
        %jit3A = arith.constant 1.000000e+00 : f32
        %jit3A_178 = arith.constant 0.000000e+00 : f32
        %broadcast_in_dim3A_179 = vector.broadcast %jit3A : f32 to vector<16xf32>
        %broadcast_in_dim3A_180 = vector.broadcast %jit3A_178 : f32 to vector<16xf32>
        %select_n3A = arith.select %eq3A_177, %broadcast_in_dim3A_179, %broadcast_in_dim3A_180 : vector<16xi1>, vector<16xf32>
        %select_n3A_181 = arith.select %lt3A_174, %exp3A, %select_n3A : vector<16xi1>, vector<16xf32>
        %swap3A_182 = arith.index_cast %scan3A_156 : i32 to index
        %swap3A_183 = arith.constant 0 : index
        %swap3A_184 = tpu.vector_load %arg15[%swap3A_182, %swap3A_183] {strides = array<i32>} : memref<80x16xf32, #tpu.memory_space<vmem>>, vector<1x16xf32>,
        %swap3A_185 = vector.shape_cast %swap3A_184 : vector<1x16xf32> to vector<16xf32>
        %swap3A_186 = vector.shape_cast %select_n3A_181 : vector<16xf32> to vector<1x16xf32>
        tpu.vector_store %arg15[%swap3A_182, %swap3A_183], %swap3A_186 {strides = array<i32>} : memref<80x16xf32, #tpu.memory_space<vmem>>, vector<1x16xf32>,
        %slice3A = vector.extract_strided_slice %exp3A {offsets = [0], sizes = [1], strides = [1]} : vector<16xf32> to vector<1xf32>
        %squeeze3A = vector.extract %slice3A[0] : f32 from vector<1xf32>
        %broadcast_in_dim3A_187 = vector.broadcast %squeeze3A : f32 to vector<16xf32>
        %get3A_188 = arith.index_cast %scan3A_156 : i32 to index
        %get3A_189 = arith.constant 0 : index
        %get3A_190 = tpu.vector_load %arg12[%get3A_188, %get3A_189] {strides = array<i32>} : memref<80x128xf32, #tpu.memory_space<vmem>>, vector<1x16xf32>,
        %get3A_191 = vector.shape_cast %get3A_190 : vector<1x16xf32> to vector<16xf32>
        %mul3A_192 = arith.mulf %get3A_191, %broadcast_in_dim3A_187 : vector<16xf32>
        %swap3A_193 = arith.index_cast %scan3A_156 : i32 to index
        %swap3A_194 = arith.constant 0 : index
        %swap3A_195 = tpu.vector_load %arg12[%swap3A_193, %swap3A_194] {strides = array<i32>} : memref<80x128xf32, #tpu.memory_space<vmem>>, vector<1x16xf32>,
        %swap3A_196 = vector.shape_cast %swap3A_195 : vector<1x16xf32> to vector<16xf32>
        %swap3A_197 = vector.shape_cast %mul3A_192 : vector<16xf32> to vector<1x16xf32>
        tpu.vector_store %arg12[%swap3A_193, %swap3A_194], %swap3A_197 {strides = array<i32>} : memref<80x128xf32, #tpu.memory_space<vmem>>, vector<1x16xf32>,
        %get3A_198 = arith.index_cast %scan3A_156 : i32 to index
        %get3A_199 = arith.constant 16 : index
        %get3A_200 = tpu.vector_load %arg12[%get3A_198, %get3A_199] {strides = array<i32>} : memref<80x128xf32, #tpu.memory_space<vmem>>, vector<1x16xf32>,
        %get3A_201 = vector.shape_cast %get3A_200 : vector<1x16xf32> to vector<16xf32>
        %mul3A_202 = arith.mulf %get3A_201, %broadcast_in_dim3A_187 : vector<16xf32>
        %swap3A_203 = arith.index_cast %scan3A_156 : i32 to index
        %swap3A_204 = arith.constant 16 : index
        %swap3A_205 = tpu.vector_load %arg12[%swap3A_203, %swap3A_204] {strides = array<i32>} : memref<80x128xf32, #tpu.memory_space<vmem>>, vector<1x16xf32>,
        %swap3A_206 = vector.shape_cast %swap3A_205 : vector<1x16xf32> to vector<16xf32>
        %swap3A_207 = vector.shape_cast %mul3A_202 : vector<16xf32> to vector<1x16xf32>
        tpu.vector_store %arg12[%swap3A_203, %swap3A_204], %swap3A_207 {strides = array<i32>} : memref<80x128xf32, #tpu.memory_space<vmem>>, vector<1x16xf32>,
        %slice3A_208 = vector.extract_strided_slice %exp3A {offsets = [1], sizes = [1], strides = [1]} : vector<16xf32> to vector<1xf32>
        %squeeze3A_209 = vector.extract %slice3A_208[0] : f32 from vector<1xf32>
        %broadcast_in_dim3A_210 = vector.broadcast %squeeze3A_209 : f32 to vector<16xf32>
        %get3A_211 = arith.index_cast %scan3A_156 : i32 to index
        %get3A_212 = arith.constant 32 : index
        %get3A_213 = tpu.vector_load %arg12[%get3A_211, %get3A_212] {strides = array<i32>} : memref<80x128xf32, #tpu.memory_space<vmem>>, vector<1x16xf32>,
        %get3A_214 = vector.shape_cast %get3A_213 : vector<1x16xf32> to vector<16xf32>
        %mul3A_215 = arith.mulf %get3A_214, %broadcast_in_dim3A_210 : vector<16xf32>
        %swap3A_216 = arith.index_cast %scan3A_156 : i32 to index
        %swap3A_217 = arith.constant 32 : index
        %swap3A_218 = tpu.vector_load %arg12[%swap3A_216, %swap3A_217] {strides = array<i32>} : memref<80x128xf32, #tpu.memory_space<vmem>>, vector<1x16xf32>,
        %swap3A_219 = vector.shape_cast %swap3A_218 : vector<1x16xf32> to vector<16xf32>
        %swap3A_220 = vector.shape_cast %mul3A_215 : vector<16xf32> to vector<1x16xf32>
        tpu.vector_store %arg12[%swap3A_216, %swap3A_217], %swap3A_220 {strides = array<i32>} : memref<80x128xf32, #tpu.memory_space<vmem>>, vector<1x16xf32>,
        %get3A_221 = arith.index_cast %scan3A_156 : i32 to index
        %get3A_222 = arith.constant 48 : index
        %get3A_223 = tpu.vector_load %arg12[%get3A_221, %get3A_222] {strides = array<i32>} : memref<80x128xf32, #tpu.memory_space<vmem>>, vector<1x16xf32>,
        %get3A_224 = vector.shape_cast %get3A_223 : vector<1x16xf32> to vector<16xf32>
        %mul3A_225 = arith.mulf %get3A_224, %broadcast_in_dim3A_210 : vector<16xf32>
        %swap3A_226 = arith.index_cast %scan3A_156 : i32 to index
        %swap3A_227 = arith.constant 48 : index
        %swap3A_228 = tpu.vector_load %arg12[%swap3A_226, %swap3A_227] {strides = array<i32>} : memref<80x128xf32, #tpu.memory_space<vmem>>, vector<1x16xf32>,
        %swap3A_229 = vector.shape_cast %swap3A_228 : vector<1x16xf32> to vector<16xf32>
        %swap3A_230 = vector.shape_cast %mul3A_225 : vector<16xf32> to vector<1x16xf32>
        tpu.vector_store %arg12[%swap3A_226, %swap3A_227], %swap3A_230 {strides = array<i32>} : memref<80x128xf32, #tpu.memory_space<vmem>>, vector<1x16xf32>,
        %slice3A_231 = vector.extract_strided_slice %exp3A {offsets = [2], sizes = [1], strides = [1]} : vector<16xf32> to vector<1xf32>
        %squeeze3A_232 = vector.extract %slice3A_231[0] : f32 from vector<1xf32>
        %broadcast_in_dim3A_233 = vector.broadcast %squeeze3A_232 : f32 to vector<16xf32>
        %get3A_234 = arith.index_cast %scan3A_156 : i32 to index
        %get3A_235 = arith.constant 64 : index
        %get3A_236 = tpu.vector_load %arg12[%get3A_234, %get3A_235] {strides = array<i32>} : memref<80x128xf32, #tpu.memory_space<vmem>>, vector<1x16xf32>,
        %get3A_237 = vector.shape_cast %get3A_236 : vector<1x16xf32> to vector<16xf32>
        %mul3A_238 = arith.mulf %get3A_237, %broadcast_in_dim3A_233 : vector<16xf32>
        %swap3A_239 = arith.index_cast %scan3A_156 : i32 to index
        %swap3A_240 = arith.constant 64 : index
        %swap3A_241 = tpu.vector_load %arg12[%swap3A_239, %swap3A_240] {strides = array<i32>} : memref<80x128xf32, #tpu.memory_space<vmem>>, vector<1x16xf32>,
        %swap3A_242 = vector.shape_cast %swap3A_241 : vector<1x16xf32> to vector<16xf32>
        %swap3A_243 = vector.shape_cast %mul3A_238 : vector<16xf32> to vector<1x16xf32>
        tpu.vector_store %arg12[%swap3A_239, %swap3A_240], %swap3A_243 {strides = array<i32>} : memref<80x128xf32, #tpu.memory_space<vmem>>, vector<1x16xf32>,
        %get3A_244 = arith.index_cast %scan3A_156 : i32 to index
        %get3A_245 = arith.constant 80 : index
        %get3A_246 = tpu.vector_load %arg12[%get3A_244, %get3A_245] {strides = array<i32>} : memref<80x128xf32, #tpu.memory_space<vmem>>, vector<1x16xf32>,
        %get3A_247 = vector.shape_cast %get3A_246 : vector<1x16xf32> to vector<16xf32>
        %mul3A_248 = arith.mulf %get3A_247, %broadcast_in_dim3A_233 : vector<16xf32>
        %swap3A_249 = arith.index_cast %scan3A_156 : i32 to index
        %swap3A_250 = arith.constant 80 : index
        %swap3A_251 = tpu.vector_load %arg12[%swap3A_249, %swap3A_250] {strides = array<i32>} : memref<80x128xf32, #tpu.memory_space<vmem>>, vector<1x16xf32>,
        %swap3A_252 = vector.shape_cast %swap3A_251 : vector<1x16xf32> to vector<16xf32>
        %swap3A_253 = vector.shape_cast %mul3A_248 : vector<16xf32> to vector<1x16xf32>
        tpu.vector_store %arg12[%swap3A_249, %swap3A_250], %swap3A_253 {strides = array<i32>} : memref<80x128xf32, #tpu.memory_space<vmem>>, vector<1x16xf32>,
        %slice3A_254 = vector.extract_strided_slice %exp3A {offsets = [3], sizes = [1], strides = [1]} : vector<16xf32> to vector<1xf32>
        %squeeze3A_255 = vector.extract %slice3A_254[0] : f32 from vector<1xf32>
        %broadcast_in_dim3A_256 = vector.broadcast %squeeze3A_255 : f32 to vector<16xf32>
        %get3A_257 = arith.index_cast %scan3A_156 : i32 to index
        %get3A_258 = arith.constant 96 : index
        %get3A_259 = tpu.vector_load %arg12[%get3A_257, %get3A_258] {strides = array<i32>} : memref<80x128xf32, #tpu.memory_space<vmem>>, vector<1x16xf32>,
        %get3A_260 = vector.shape_cast %get3A_259 : vector<1x16xf32> to vector<16xf32>
        %mul3A_261 = arith.mulf %get3A_260, %broadcast_in_dim3A_256 : vector<16xf32>
        %swap3A_262 = arith.index_cast %scan3A_156 : i32 to index
        %swap3A_263 = arith.constant 96 : index
        %swap3A_264 = tpu.vector_load %arg12[%swap3A_262, %swap3A_263] {strides = array<i32>} : memref<80x128xf32, #tpu.memory_space<vmem>>, vector<1x16xf32>,
        %swap3A_265 = vector.shape_cast %swap3A_264 : vector<1x16xf32> to vector<16xf32>
        %swap3A_266 = vector.shape_cast %mul3A_261 : vector<16xf32> to vector<1x16xf32>
        tpu.vector_store %arg12[%swap3A_262, %swap3A_263], %swap3A_266 {strides = array<i32>} : memref<80x128xf32, #tpu.memory_space<vmem>>, vector<1x16xf32>,
        %get3A_267 = arith.index_cast %scan3A_156 : i32 to index
        %get3A_268 = arith.constant 112 : index
        %get3A_269 = tpu.vector_load %arg12[%get3A_267, %get3A_268] {strides = array<i32>} : memref<80x128xf32, #tpu.memory_space<vmem>>, vector<1x16xf32>,
        %get3A_270 = vector.shape_cast %get3A_269 : vector<1x16xf32> to vector<16xf32>
        %mul3A_271 = arith.mulf %get3A_270, %broadcast_in_dim3A_256 : vector<16xf32>
        %swap3A_272 = arith.index_cast %scan3A_156 : i32 to index
        %swap3A_273 = arith.constant 112 : index
        %swap3A_274 = tpu.vector_load %arg12[%swap3A_272, %swap3A_273] {strides = array<i32>} : memref<80x128xf32, #tpu.memory_space<vmem>>, vector<1x16xf32>,
        %swap3A_275 = vector.shape_cast %swap3A_274 : vector<1x16xf32> to vector<16xf32>
        %swap3A_276 = vector.shape_cast %mul3A_271 : vector<16xf32> to vector<1x16xf32>
        tpu.vector_store %arg12[%swap3A_272, %swap3A_273], %swap3A_276 {strides = array<i32>} : memref<80x128xf32, #tpu.memory_space<vmem>>, vector<1x16xf32>,
      }
      %scan3A_155 = arith.constant 80 : i32
      "tpu.region"() ({
        %run_scoped3A = tpu.sem_alloc : memref<!tpu.dma_semaphore, #tpu.memory_space<semaphore_mem>>
        %dma_start3A_156 = arith.constant 0 : i32
        %dma_start3A_157 = arith.constant 0 : i32
        %dma_start3A_158 = tpu.memref_slice %arg16[%dma_start3A_156, %dma_start3A_157] : memref<10240x128xf32, #tpu.memory_space<vmem_shared>> -> memref<10240x128xf32, #tpu.memory_space<vmem_shared>>
        tpu.enqueue_indirect_dma source(%arg12 : memref<80x128xf32, #tpu.memory_space<vmem>>) target(%dma_start3A_158 : memref<10240x128xf32, #tpu.memory_space<vmem_shared>>) offsets(%arg10 : memref<80xi32, #tpu.memory_space<vmem>>) semaphore(%run_scoped3A : memref<!tpu.dma_semaphore, #tpu.memory_space<semaphore_mem>>) {add = true}
        %dma_wait3A_159 = arith.constant 0 : i32
        %dma_wait3A_160 = arith.constant 0 : i32
        %dma_wait3A_161 = tpu.memref_slice %arg16[%dma_wait3A_159, %dma_wait3A_160] : memref<10240x128xf32, #tpu.memory_space<vmem_shared>> -> memref<10240x128xf32, #tpu.memory_space<vmem_shared>>
        tpu.wait_indirect_dma semaphore(%run_scoped3A : memref<!tpu.dma_semaphore, #tpu.memory_space<semaphore_mem>>) src(%arg12 : memref<80x128xf32, #tpu.memory_space<vmem>>) dst(%dma_wait3A_161 : memref<10240x128xf32, #tpu.memory_space<vmem_shared>>)
        tpu.yield
      }) : () -> ()
      "tpu.region"() ({
        %run_scoped3A = tpu.sem_alloc : memref<!tpu.dma_semaphore, #tpu.memory_space<semaphore_mem>>
        %dma_start3A_156 = arith.constant 0 : i32
        %dma_start3A_157 = arith.constant 0 : i32
        %dma_start3A_158 = tpu.memref_slice %arg17[%dma_start3A_156, %dma_start3A_157] : memref<10240x16xf32, #tpu.memory_space<vmem_shared>> -> memref<10240x16xf32, #tpu.memory_space<vmem_shared>>
        tpu.enqueue_indirect_dma source(%arg15 : memref<80x16xf32, #tpu.memory_space<vmem>>) target(%dma_start3A_158 : memref<10240x16xf32, #tpu.memory_space<vmem_shared>>) offsets(%arg10 : memref<80xi32, #tpu.memory_space<vmem>>) semaphore(%run_scoped3A : memref<!tpu.dma_semaphore, #tpu.memory_space<semaphore_mem>>) {add = true}
        %dma_wait3A_159 = arith.constant 0 : i32
        %dma_wait3A_160 = arith.constant 0 : i32
        %dma_wait3A_161 = tpu.memref_slice %arg17[%dma_wait3A_159, %dma_wait3A_160] : memref<10240x16xf32, #tpu.memory_space<vmem_shared>> -> memref<10240x16xf32, #tpu.memory_space<vmem_shared>>
        tpu.wait_indirect_dma semaphore(%run_scoped3A : memref<!tpu.dma_semaphore, #tpu.memory_space<semaphore_mem>>) src(%arg15 : memref<80x16xf32, #tpu.memory_space<vmem>>) dst(%dma_wait3A_161 : memref<10240x16xf32, #tpu.memory_space<vmem_shared>>)
        tpu.yield
      }) : () -> ()
    }
    %scan3A_87 = arith.constant 250 : i32
    %barrier3A_88 = arith.constant 0 : index
    tpu.barrier barrier_id(%barrier3A_88)
    %mul3A_89 = arith.constant 640 : i32
    %mul3A_90 = arith.muli %arg1, %mul3A_89 : i32
    %eq3A = arith.constant 0 : i32
    %eq3A_91 = arith.cmpi eq, %arg0, %eq3A : i32
    %convert_element_type3A = arith.extui %eq3A_91 : i1 to i32
    %cond3A = arith.constant 0 : i32
    %cond3A_92 = arith.cmpi ne, %convert_element_type3A, %cond3A : i32
    scf.if %cond3A_92 {
      "tpu.region"() ({
        %run_scoped3A = tpu.sem_alloc : memref<!tpu.dma_semaphore, #tpu.memory_space<semaphore_mem>>
        %dma_start3A = arith.constant 0 : i32
        %dma_start3A_97 = tpu.memref_slice %arg6[%mul3A_90, %dma_start3A] : memref<10240x128xf32, #tpu.memory_space<hbm>> -> memref<640x128xf32, #tpu.memory_space<hbm>>
        %dma_start3A_98 = arith.constant 0 : i32
        %dma_start3A_99 = tpu.memref_slice %arg16[%mul3A_90, %dma_start3A_98] : memref<10240x128xf32, #tpu.memory_space<vmem_shared>> -> memref<640x128xf32, #tpu.memory_space<vmem_shared>>
        tpu.enqueue_dma source(%dma_start3A_99 : memref<640x128xf32, #tpu.memory_space<vmem_shared>>) target(%dma_start3A_97 : memref<640x128xf32, #tpu.memory_space<hbm>>) target_semaphore(%run_scoped3A : memref<!tpu.dma_semaphore, #tpu.memory_space<semaphore_mem>>)
        %dma_wait3A = arith.constant 0 : i32
        %dma_wait3A_100 = tpu.memref_slice %arg6[%mul3A_90, %dma_wait3A] : memref<10240x128xf32, #tpu.memory_space<hbm>> -> memref<640x128xf32, #tpu.memory_space<hbm>>
        %dma_wait3A_101 = arith.constant 0 : i32
        %dma_wait3A_102 = tpu.memref_slice %arg16[%mul3A_90, %dma_wait3A_101] : memref<10240x128xf32, #tpu.memory_space<vmem_shared>> -> memref<640x128xf32, #tpu.memory_space<vmem_shared>>
        tpu.wait_dma2 semaphore(%run_scoped3A : memref<!tpu.dma_semaphore, #tpu.memory_space<semaphore_mem>>) src(%dma_wait3A_102 : memref<640x128xf32, #tpu.memory_space<vmem_shared>>) dst(%dma_wait3A_100 : memref<640x128xf32, #tpu.memory_space<hbm>>)
        tpu.yield
      }) : () -> ()
      "tpu.region"() ({
        %run_scoped3A = tpu.sem_alloc : memref<!tpu.dma_semaphore, #tpu.memory_space<semaphore_mem>>
        %dma_start3A = arith.constant 0 : i32
        %dma_start3A_97 = tpu.memref_slice %arg8[%mul3A_90, %dma_start3A] : memref<10240x16xf32, #tpu.memory_space<hbm>> -> memref<640x16xf32, #tpu.memory_space<hbm>>
        %dma_start3A_98 = arith.constant 0 : i32
        %dma_start3A_99 = tpu.memref_slice %arg17[%mul3A_90, %dma_start3A_98] : memref<10240x16xf32, #tpu.memory_space<vmem_shared>> -> memref<640x16xf32, #tpu.memory_space<vmem_shared>>
        tpu.enqueue_dma source(%dma_start3A_99 : memref<640x16xf32, #tpu.memory_space<vmem_shared>>) target(%dma_start3A_97 : memref<640x16xf32, #tpu.memory_space<hbm>>) target_semaphore(%run_scoped3A : memref<!tpu.dma_semaphore, #tpu.memory_space<semaphore_mem>>)
        %dma_wait3A = arith.constant 0 : i32
        %dma_wait3A_100 = tpu.memref_slice %arg8[%mul3A_90, %dma_wait3A] : memref<10240x16xf32, #tpu.memory_space<hbm>> -> memref<640x16xf32, #tpu.memory_space<hbm>>
        %dma_wait3A_101 = arith.constant 0 : i32
        %dma_wait3A_102 = tpu.memref_slice %arg17[%mul3A_90, %dma_wait3A_101] : memref<10240x16xf32, #tpu.memory_space<vmem_shared>> -> memref<640x16xf32, #tpu.memory_space<vmem_shared>>
        tpu.wait_dma2 semaphore(%run_scoped3A : memref<!tpu.dma_semaphore, #tpu.memory_space<semaphore_mem>>) src(%dma_wait3A_102 : memref<640x16xf32, #tpu.memory_space<vmem_shared>>) dst(%dma_wait3A_100 : memref<640x16xf32, #tpu.memory_space<hbm>>)
        tpu.yield
      }) : () -> ()
    } else {
    }
    %ne3A = arith.constant 0 : i32
    %ne3A_93 = arith.cmpi ne, %arg0, %ne3A : i32
    %convert_element_type3A_94 = arith.extui %ne3A_93 : i1 to i32
    %cond3A_95 = arith.constant 0 : i32
    %cond3A_96 = arith.cmpi ne, %convert_element_type3A_94, %cond3A_95 : i32
    scf.if %cond3A_96 {
      "tpu.region"() ({
        %run_scoped3A = tpu.sem_alloc : memref<!tpu.dma_semaphore, #tpu.memory_space<semaphore_mem>>
        %dma_start3A = arith.constant 0 : i32
        %dma_start3A_97 = tpu.memref_slice %arg7[%mul3A_90, %dma_start3A] : memref<10240x128xf32, #tpu.memory_space<hbm>> -> memref<640x128xf32, #tpu.memory_space<hbm>>
        %dma_start3A_98 = arith.constant 0 : i32
        %dma_start3A_99 = tpu.memref_slice %arg16[%mul3A_90, %dma_start3A_98] : memref<10240x128xf32, #tpu.memory_space<vmem_shared>> -> memref<640x128xf32, #tpu.memory_space<vmem_shared>>
        tpu.enqueue_dma source(%dma_start3A_99 : memref<640x128xf32, #tpu.memory_space<vmem_shared>>) target(%dma_start3A_97 : memref<640x128xf32, #tpu.memory_space<hbm>>) target_semaphore(%run_scoped3A : memref<!tpu.dma_semaphore, #tpu.memory_space<semaphore_mem>>)
        %dma_wait3A = arith.constant 0 : i32
        %dma_wait3A_100 = tpu.memref_slice %arg7[%mul3A_90, %dma_wait3A] : memref<10240x128xf32, #tpu.memory_space<hbm>> -> memref<640x128xf32, #tpu.memory_space<hbm>>
        %dma_wait3A_101 = arith.constant 0 : i32
        %dma_wait3A_102 = tpu.memref_slice %arg16[%mul3A_90, %dma_wait3A_101] : memref<10240x128xf32, #tpu.memory_space<vmem_shared>> -> memref<640x128xf32, #tpu.memory_space<vmem_shared>>
        tpu.wait_dma2 semaphore(%run_scoped3A : memref<!tpu.dma_semaphore, #tpu.memory_space<semaphore_mem>>) src(%dma_wait3A_102 : memref<640x128xf32, #tpu.memory_space<vmem_shared>>) dst(%dma_wait3A_100 : memref<640x128xf32, #tpu.memory_space<hbm>>)
        tpu.yield
      }) : () -> ()
    } else {
    }
    return
  }
}

module attributes {stable_mosaic.version = 14 : i64} {
  func.func @_tc_pre(%arg0: i32, %arg1: memref<400x128xf32, #tpu.memory_space<vmem>>, %arg2: memref<128x128xf32, #tpu.memory_space<vmem>>, %arg3: memref<128x16xf32, #tpu.memory_space<vmem>>, %arg4: memref<400x128xf32, #tpu.memory_space<vmem>>, %arg5: memref<400x16xf32, #tpu.memory_space<vmem>>) attributes {dimension_semantics = [#tpu.dimension_semantics<arbitrary>], iteration_bounds = array<i64: 50>, scalar_prefetch = 0 : i64, scratch_operands = 0 : i64, tpu.core_type = #tpu.core_type<tc>, window_params = [{transform_indices = @transform_0, window_bounds = array<i64: 400, 128>}, {pipeline_mode = #tpu.pipeline_mode<synchronous>, transform_indices = @transform_1, window_bounds = array<i64: 128, 128>}, {pipeline_mode = #tpu.pipeline_mode<synchronous>, transform_indices = @transform_2, window_bounds = array<i64: 128, 16>}, {transform_indices = @transform_3, window_bounds = array<i64: 400, 128>}, {transform_indices = @transform_4, window_bounds = array<i64: 400, 16>}]} {
    %get3A = arith.constant 0 : index
    %get3A_0 = arith.constant 0 : index
    %get3A_1 = vector.load %arg1[%get3A, %get3A_0] : memref<400x128xf32, #tpu.memory_space<vmem>>, vector<400x128xf32>
    %get3A_2 = arith.constant 0 : index
    %get3A_3 = arith.constant 0 : index
    %get3A_4 = vector.load %arg2[%get3A_2, %get3A_3] : memref<128x128xf32, #tpu.memory_space<vmem>>, vector<128x128xf32>
    %dot_general3A = arith.constant dense<0.000000e+00> : vector<400x128xf32>
    %dot_general3A_5 = tpu.matmul %get3A_1, %get3A_4, %dot_general3A {dimension_numbers = #tpu.dot_dimension_numbers<[1], [0], [0], [1], [0, 0, 1, 1], [], []>, transpose_lhs_hint = false} : vector<400x128xf32>, vector<128x128xf32>, vector<400x128xf32> -> vector<400x128xf32>
    %lt3A = arith.constant 25 : i32
    %lt3A_6 = arith.cmpi slt, %arg0, %lt3A : i32
    %select_n3A = arith.select %lt3A_6, %dot_general3A_5, %get3A_1 : vector<400x128xf32>
    %swap3A = arith.constant 0 : index
    %swap3A_7 = arith.constant 0 : index
    %swap3A_8 = vector.load %arg4[%swap3A, %swap3A_7] : memref<400x128xf32, #tpu.memory_space<vmem>>, vector<400x128xf32>
    tpu.vector_store %arg4[%swap3A, %swap3A_7], %select_n3A {strides = array<i32>} : memref<400x128xf32, #tpu.memory_space<vmem>>, vector<400x128xf32>,
    %get3A_9 = arith.constant 0 : index
    %get3A_10 = arith.constant 0 : index
    %get3A_11 = vector.load %arg3[%get3A_9, %get3A_10] : memref<128x16xf32, #tpu.memory_space<vmem>>, vector<128x16xf32>
    %dot_general3A_12 = arith.constant dense<0.000000e+00> : vector<400x16xf32>
    %dot_general3A_13 = tpu.matmul %select_n3A, %get3A_11, %dot_general3A_12 {dimension_numbers = #tpu.dot_dimension_numbers<[1], [0], [0], [1], [0, 0, 1, 1], [], []>, transpose_lhs_hint = false} : vector<400x128xf32>, vector<128x16xf32>, vector<400x16xf32> -> vector<400x16xf32>
    %swap3A_14 = arith.constant 0 : index
    %swap3A_15 = arith.constant 0 : index
    %swap3A_16 = vector.load %arg5[%swap3A_14, %swap3A_15] : memref<400x16xf32, #tpu.memory_space<vmem>>, vector<400x16xf32>
    tpu.vector_store %arg5[%swap3A_14, %swap3A_15], %dot_general3A_13 {strides = array<i32>} : memref<400x16xf32, #tpu.memory_space<vmem>>, vector<400x16xf32>,
    return
  }
  func.func @transform_0(%arg0: i32) -> (i32, i32) {
    %jit3A = arith.constant 25 : i32
    %eq3A = arith.constant 0 : i32
    %eq3A_0 = arith.cmpi eq, %jit3A, %eq3A : i32
    %jit3A_1 = arith.constant 1 : i32
    %select_n3A = arith.select %eq3A_0, %jit3A_1, %jit3A : i32
    %rem3A = arith.remsi %arg0, %select_n3A : i32
    %ne3A = arith.constant 0 : i32
    %ne3A_2 = arith.cmpi ne, %rem3A, %ne3A : i32
    %lt3A = arith.constant 0 : i32
    %lt3A_3 = arith.cmpi slt, %rem3A, %lt3A : i32
    %lt3A_4 = arith.constant 0 : i32
    %lt3A_5 = arith.cmpi slt, %select_n3A, %lt3A_4 : i32
    %ne3A_6 = arith.xori %lt3A_3, %lt3A_5 : i1
    %and3A = arith.andi %ne3A_6, %ne3A_2 : i1
    %add3A = arith.addi %rem3A, %select_n3A : i32
    %select_n3A_7 = arith.select %and3A, %add3A, %rem3A : i32
    %c0_i32 = arith.constant 0 : i32
    %c0_i32_8 = arith.constant 0 : i32
    return %select_n3A_7, %c0_i32 : i32, i32
  }
  func.func @transform_1(%arg0: i32) -> (i32, i32) {
    %c0_i32 = arith.constant 0 : i32
    %c0_i32_0 = arith.constant 0 : i32
    %c0_i32_1 = arith.constant 0 : i32
    return %c0_i32, %c0_i32_0 : i32, i32
  }
  func.func @transform_2(%arg0: i32) -> (i32, i32) {
    %c0_i32 = arith.constant 0 : i32
    %c0_i32_0 = arith.constant 0 : i32
    %c0_i32_1 = arith.constant 0 : i32
    return %c0_i32, %c0_i32_0 : i32, i32
  }
  func.func @transform_3(%arg0: i32) -> (i32, i32) {
    %c0_i32 = arith.constant 0 : i32
    %c0_i32_0 = arith.constant 0 : i32
    return %arg0, %c0_i32 : i32, i32
  }
  func.func @transform_4(%arg0: i32) -> (i32, i32) {
    %c0_i32 = arith.constant 0 : i32
    %c0_i32_0 = arith.constant 0 : i32
    return %arg0, %c0_i32 : i32, i32
  }
}

module attributes {stable_mosaic.version = 14 : i64} {
  func.func @_tc_post(%arg0: i32, %arg1: memref<400x128xf32, #tpu.memory_space<vmem>>, %arg2: memref<400x128xf32, #tpu.memory_space<vmem>>, %arg3: memref<400x16xf32, #tpu.memory_space<vmem>>, %arg4: memref<400x128xf32, #tpu.memory_space<vmem>>, %arg5: memref<400x16xf32, #tpu.memory_space<vmem>>, %arg6: memref<400x128xf32, #tpu.memory_space<vmem>>, %arg7: memref<16x4xf32, #tpu.memory_space<vmem>>, %arg8: memref<16x4xf32, #tpu.memory_space<vmem>>, %arg9: memref<16x1xf32, #tpu.memory_space<vmem>>, %arg10: memref<4x128xf32, #tpu.memory_space<vmem>>, %arg11: memref<128x128xf32, #tpu.memory_space<vmem>>, %arg12: memref<128x128xf32, #tpu.memory_space<vmem>>, %arg13: memref<128x128xf32, #tpu.memory_space<vmem>>, %arg14: memref<128x128xf32, #tpu.memory_space<vmem>>, %arg15: memref<1x128xf32, #tpu.memory_space<vmem>>, %arg16: memref<1x128xf32, #tpu.memory_space<vmem>>, %arg17: memref<1x128xf32, #tpu.memory_space<vmem>>, %arg18: memref<1x128xf32, #tpu.memory_space<vmem>>, %arg19: memref<1x128xf32, #tpu.memory_space<vmem>>, %arg20: memref<400x128xf32, #tpu.memory_space<vmem>>) attributes {dimension_semantics = [#tpu.dimension_semantics<arbitrary>], iteration_bounds = array<i64: 25>, scalar_prefetch = 0 : i64, scratch_operands = 0 : i64, tpu.core_type = #tpu.core_type<tc>, window_params = [{transform_indices = @transform_0, window_bounds = array<i64: 400, 128>}, {transform_indices = @transform_1, window_bounds = array<i64: 400, 128>}, {transform_indices = @transform_2, window_bounds = array<i64: 400, 16>}, {transform_indices = @transform_3, window_bounds = array<i64: 400, 128>}, {transform_indices = @transform_4, window_bounds = array<i64: 400, 16>}, {transform_indices = @transform_5, window_bounds = array<i64: 400, 128>}, {pipeline_mode = #tpu.pipeline_mode<synchronous>, transform_indices = @transform_6, window_bounds = array<i64: 16, 4>}, {pipeline_mode = #tpu.pipeline_mode<synchronous>, transform_indices = @transform_7, window_bounds = array<i64: 16, 4>}, {pipeline_mode = #tpu.pipeline_mode<synchronous>, transform_indices = @transform_8, window_bounds = array<i64: 16, 1>}, {pipeline_mode = #tpu.pipeline_mode<synchronous>, transform_indices = @transform_9, window_bounds = array<i64: 4, 128>}, {pipeline_mode = #tpu.pipeline_mode<synchronous>, transform_indices = @transform_10, window_bounds = array<i64: 128, 128>}, {pipeline_mode = #tpu.pipeline_mode<synchronous>, transform_indices = @transform_11, window_bounds = array<i64: 128, 128>}, {pipeline_mode = #tpu.pipeline_mode<synchronous>, transform_indices = @transform_12, window_bounds = array<i64: 128, 128>}, {pipeline_mode = #tpu.pipeline_mode<synchronous>, transform_indices = @transform_13, window_bounds = array<i64: 128, 128>}, {pipeline_mode = #tpu.pipeline_mode<synchronous>, transform_indices = @transform_14, window_bounds = array<i64: 1, 128>}, {pipeline_mode = #tpu.pipeline_mode<synchronous>, transform_indices = @transform_15, window_bounds = array<i64: 1, 128>}, {pipeline_mode = #tpu.pipeline_mode<synchronous>, transform_indices = @transform_16, window_bounds = array<i64: 1, 128>}, {pipeline_mode = #tpu.pipeline_mode<synchronous>, transform_indices = @transform_17, window_bounds = array<i64: 1, 128>}, {pipeline_mode = #tpu.pipeline_mode<synchronous>, transform_indices = @transform_18, window_bounds = array<i64: 1, 128>}, {transform_indices = @transform_19, window_bounds = array<i64: 400, 128>}]} {
    %get3A = arith.constant 0 : index
    %get3A_0 = arith.constant 0 : index
    %get3A_1 = vector.load %arg5[%get3A, %get3A_0] : memref<400x16xf32, #tpu.memory_space<vmem>>, vector<400x16xf32>
    %get3A_2 = arith.constant 0 : index
    %get3A_3 = arith.constant 0 : index
    %get3A_4 = vector.load %arg7[%get3A_2, %get3A_3] : memref<16x4xf32, #tpu.memory_space<vmem>>, vector<16x4xf32>
    %dot_general3A = arith.constant dense<0.000000e+00> : vector<400x4xf32>
    %dot_general3A_5 = tpu.matmul %get3A_1, %get3A_4, %dot_general3A {dimension_numbers = #tpu.dot_dimension_numbers<[1], [0], [0], [1], [0, 0, 1, 1], [], []>, transpose_lhs_hint = false} : vector<400x16xf32>, vector<16x4xf32>, vector<400x4xf32> -> vector<400x4xf32>
    %mul3A = arith.constant 2.000000e-01 : f32
    %mul3A_6 = vector.broadcast %mul3A : f32 to vector<400x4xf32>
    %mul3A_7 = arith.mulf %dot_general3A_5, %mul3A_6 : vector<400x4xf32>
    %max3A = arith.maximumf %dot_general3A_5, %mul3A_7 : vector<400x4xf32>
    %exp3A = math.exp %max3A : vector<400x4xf32>
    %get3A_8 = arith.constant 0 : index
    %get3A_9 = arith.constant 0 : index
    %get3A_10 = vector.load %arg3[%get3A_8, %get3A_9] : memref<400x16xf32, #tpu.memory_space<vmem>>, vector<400x16xf32>
    %get3A_11 = arith.constant 0 : index
    %get3A_12 = arith.constant 0 : index
    %get3A_13 = vector.load %arg8[%get3A_11, %get3A_12] : memref<16x4xf32, #tpu.memory_space<vmem>>, vector<16x4xf32>
    %dot_general3A_14 = arith.constant dense<0.000000e+00> : vector<400x4xf32>
    %dot_general3A_15 = tpu.matmul %get3A_10, %get3A_13, %dot_general3A_14 {dimension_numbers = #tpu.dot_dimension_numbers<[1], [0], [0], [1], [0, 0, 1, 1], [], []>, transpose_lhs_hint = false} : vector<400x16xf32>, vector<16x4xf32>, vector<400x4xf32> -> vector<400x4xf32>
    %add3A = arith.addf %dot_general3A_15, %exp3A : vector<400x4xf32>
    %add3A_16 = arith.constant 1.000000e-16 : f32
    %add3A_17 = vector.broadcast %add3A_16 : f32 to vector<400x4xf32>
    %add3A_18 = arith.addf %add3A, %add3A_17 : vector<400x4xf32>
    %get3A_19 = arith.constant 0 : index
    %get3A_20 = arith.constant 0 : index
    %get3A_21 = vector.load %arg3[%get3A_19, %get3A_20] : memref<400x16xf32, #tpu.memory_space<vmem>>, vector<400x16xf32>
    %get3A_22 = arith.constant 0 : index
    %get3A_23 = arith.constant 0 : index
    %get3A_24 = vector.load %arg9[%get3A_22, %get3A_23] : memref<16x1xf32, #tpu.memory_space<vmem>>, vector<16x1xf32>
    %dot_general3A_25 = arith.constant dense<0.000000e+00> : vector<400x1xf32>
    %dot_general3A_26 = tpu.matmul %get3A_21, %get3A_24, %dot_general3A_25 {dimension_numbers = #tpu.dot_dimension_numbers<[1], [0], [0], [1], [0, 0, 1, 1], [], []>, transpose_lhs_hint = false} : vector<400x16xf32>, vector<16x1xf32>, vector<400x1xf32> -> vector<400x1xf32>
    %get3A_27 = arith.constant 0 : index
    %get3A_28 = arith.constant 0 : index
    %get3A_29 = vector.load %arg10[%get3A_27, %get3A_28] : memref<4x128xf32, #tpu.memory_space<vmem>>, vector<4x128xf32>
    %dot_general3A_30 = arith.constant dense<0.000000e+00> : vector<400x128xf32>
    %dot_general3A_31 = tpu.matmul %exp3A, %get3A_29, %dot_general3A_30 {dimension_numbers = #tpu.dot_dimension_numbers<[1], [0], [0], [1], [0, 0, 1, 1], [], []>, transpose_lhs_hint = false} : vector<400x4xf32>, vector<4x128xf32>, vector<400x128xf32> -> vector<400x128xf32>
    %get3A_32 = arith.constant 0 : index
    %get3A_33 = arith.constant 0 : index
    %get3A_34 = vector.load %arg10[%get3A_32, %get3A_33] : memref<4x128xf32, #tpu.memory_space<vmem>>, vector<4x128xf32>
    %dot_general3A_35 = arith.constant dense<0.000000e+00> : vector<400x128xf32>
    %dot_general3A_36 = tpu.matmul %add3A_18, %get3A_34, %dot_general3A_35 {dimension_numbers = #tpu.dot_dimension_numbers<[1], [0], [0], [1], [0, 0, 1, 1], [], []>, transpose_lhs_hint = false} : vector<400x4xf32>, vector<4x128xf32>, vector<400x128xf32> -> vector<400x128xf32>
    %get3A_37 = arith.constant 0 : index
    %get3A_38 = arith.constant 0 : index
    %get3A_39 = vector.load %arg6[%get3A_37, %get3A_38] : memref<400x128xf32, #tpu.memory_space<vmem>>, vector<400x128xf32>
    %get3A_40 = arith.constant 0 : index
    %get3A_41 = arith.constant 0 : index
    %get3A_42 = vector.load %arg4[%get3A_40, %get3A_41] : memref<400x128xf32, #tpu.memory_space<vmem>>, vector<400x128xf32>
    %get3A_43 = arith.constant 0 : index
    %get3A_44 = arith.constant 0 : index
    %get3A_45 = vector.load %arg1[%get3A_43, %get3A_44] : memref<400x128xf32, #tpu.memory_space<vmem>>, vector<400x128xf32>
    %mul3A_46 = arith.mulf %get3A_42, %dot_general3A_31 : vector<400x128xf32>
    %add3A_47 = arith.addf %get3A_45, %mul3A_46 : vector<400x128xf32>
    %div3A = arith.divf %add3A_47, %dot_general3A_36 : vector<400x128xf32>
    %get3A_48 = arith.constant 0 : index
    %get3A_49 = arith.constant 0 : index
    %get3A_50 = vector.load %arg15[%get3A_48, %get3A_49] : memref<1x128xf32, #tpu.memory_space<vmem>>, vector<1x128xf32>
    %add3A_51 = vector.broadcast %get3A_50 : vector<1x128xf32> to vector<400x128xf32>
    %add3A_52 = arith.addf %div3A, %add3A_51 : vector<400x128xf32>
    %get3A_53 = arith.constant 0 : index
    %get3A_54 = arith.constant 0 : index
    %get3A_55 = vector.load %arg2[%get3A_53, %get3A_54] : memref<400x128xf32, #tpu.memory_space<vmem>>, vector<400x128xf32>
    %max3A_56 = arith.constant 1.000000e+00 : f32
    %max3A_57 = vector.broadcast %max3A_56 : f32 to vector<400x1xf32>
    %max3A_58 = arith.maximumf %dot_general3A_26, %max3A_57 : vector<400x1xf32>
    %div3A_59 = vector.broadcast %max3A_58 : vector<400x1xf32> to vector<400x128xf32>
    %div3A_60 = arith.divf %get3A_55, %div3A_59 : vector<400x128xf32>
    %get3A_61 = arith.constant 0 : index
    %get3A_62 = arith.constant 0 : index
    %get3A_63 = vector.load %arg11[%get3A_61, %get3A_62] : memref<128x128xf32, #tpu.memory_space<vmem>>, vector<128x128xf32>
    %dot_general3A_64 = arith.constant dense<0.000000e+00> : vector<400x128xf32>
    %dot_general3A_65 = tpu.matmul %div3A_60, %get3A_63, %dot_general3A_64 {dimension_numbers = #tpu.dot_dimension_numbers<[1], [0], [0], [1], [0, 0, 1, 1], [], []>, transpose_lhs_hint = false} : vector<400x128xf32>, vector<128x128xf32>, vector<400x128xf32> -> vector<400x128xf32>
    %get3A_66 = arith.constant 0 : index
    %get3A_67 = arith.constant 0 : index
    %get3A_68 = vector.load %arg16[%get3A_66, %get3A_67] : memref<1x128xf32, #tpu.memory_space<vmem>>, vector<1x128xf32>
    %add3A_69 = vector.broadcast %get3A_68 : vector<1x128xf32> to vector<400x128xf32>
    %add3A_70 = arith.addf %dot_general3A_65, %add3A_69 : vector<400x128xf32>
    %get3A_71 = arith.constant 0 : index
    %get3A_72 = arith.constant 0 : index
    %get3A_73 = vector.load %arg12[%get3A_71, %get3A_72] : memref<128x128xf32, #tpu.memory_space<vmem>>, vector<128x128xf32>
    %dot_general3A_74 = arith.constant dense<0.000000e+00> : vector<400x128xf32>
    %dot_general3A_75 = tpu.matmul %get3A_39, %get3A_73, %dot_general3A_74 {dimension_numbers = #tpu.dot_dimension_numbers<[1], [0], [0], [1], [0, 0, 1, 1], [], []>, transpose_lhs_hint = false} : vector<400x128xf32>, vector<128x128xf32>, vector<400x128xf32> -> vector<400x128xf32>
    %add3A_76 = arith.addf %add3A_70, %dot_general3A_75 : vector<400x128xf32>
    %get3A_77 = arith.constant 0 : index
    %get3A_78 = arith.constant 0 : index
    %get3A_79 = vector.load %arg13[%get3A_77, %get3A_78] : memref<128x128xf32, #tpu.memory_space<vmem>>, vector<128x128xf32>
    %dot_general3A_80 = arith.constant dense<0.000000e+00> : vector<400x128xf32>
    %dot_general3A_81 = tpu.matmul %add3A_52, %get3A_79, %dot_general3A_80 {dimension_numbers = #tpu.dot_dimension_numbers<[1], [0], [0], [1], [0, 0, 1, 1], [], []>, transpose_lhs_hint = false} : vector<400x128xf32>, vector<128x128xf32>, vector<400x128xf32> -> vector<400x128xf32>
    %get3A_82 = arith.constant 0 : index
    %get3A_83 = arith.constant 0 : index
    %get3A_84 = vector.load %arg14[%get3A_82, %get3A_83] : memref<128x128xf32, #tpu.memory_space<vmem>>, vector<128x128xf32>
    %dot_general3A_85 = arith.constant dense<0.000000e+00> : vector<400x128xf32>
    %dot_general3A_86 = tpu.matmul %add3A_76, %get3A_84, %dot_general3A_85 {dimension_numbers = #tpu.dot_dimension_numbers<[1], [0], [0], [1], [0, 0, 1, 1], [], []>, transpose_lhs_hint = false} : vector<400x128xf32>, vector<128x128xf32>, vector<400x128xf32> -> vector<400x128xf32>
    %add3A_87 = arith.addf %dot_general3A_81, %dot_general3A_86 : vector<400x128xf32>
    %get3A_88 = arith.constant 0 : index
    %get3A_89 = arith.constant 0 : index
    %get3A_90 = vector.load %arg17[%get3A_88, %get3A_89] : memref<1x128xf32, #tpu.memory_space<vmem>>, vector<1x128xf32>
    %add3A_91 = vector.broadcast %get3A_90 : vector<1x128xf32> to vector<400x128xf32>
    %add3A_92 = arith.addf %add3A_87, %add3A_91 : vector<400x128xf32>
    %add3A_93 = arith.addf %add3A_92, %get3A_39 : vector<400x128xf32>
    %reduce_sum3A = arith.constant dense<0.000000e+00> : vector<400xf32>
    %reduce_sum3A_94 = vector.multi_reduction <add>, %add3A_93, %reduce_sum3A [1] : vector<400x128xf32> to vector<400xf32>
    %broadcast_in_dim3A = vector.shape_cast %reduce_sum3A_94 : vector<400xf32> to vector<400x1xf32>
    %div3A_95 = arith.constant 1.280000e+02 : f32
    %div3A_96 = vector.broadcast %div3A_95 : f32 to vector<400x1xf32>
    %div3A_97 = arith.divf %broadcast_in_dim3A, %div3A_96 : vector<400x1xf32>
    %sub3A = vector.broadcast %div3A_97 : vector<400x1xf32> to vector<400x128xf32>
    %sub3A_98 = arith.subf %add3A_93, %sub3A : vector<400x128xf32>
    %mul3A_99 = arith.mulf %sub3A_98, %sub3A_98 : vector<400x128xf32>
    %reduce_sum3A_100 = arith.constant dense<0.000000e+00> : vector<400xf32>
    %reduce_sum3A_101 = vector.multi_reduction <add>, %mul3A_99, %reduce_sum3A_100 [1] : vector<400x128xf32> to vector<400xf32>
    %broadcast_in_dim3A_102 = vector.shape_cast %reduce_sum3A_101 : vector<400xf32> to vector<400x1xf32>
    %div3A_103 = arith.constant 1.280000e+02 : f32
    %div3A_104 = vector.broadcast %div3A_103 : f32 to vector<400x1xf32>
    %div3A_105 = arith.divf %broadcast_in_dim3A_102, %div3A_104 : vector<400x1xf32>
    %get3A_106 = arith.constant 0 : index
    %get3A_107 = arith.constant 0 : index
    %get3A_108 = vector.load %arg18[%get3A_106, %get3A_107] : memref<1x128xf32, #tpu.memory_space<vmem>>, vector<1x128xf32>
    %mul3A_109 = vector.broadcast %get3A_108 : vector<1x128xf32> to vector<400x128xf32>
    %mul3A_110 = arith.mulf %mul3A_109, %sub3A_98 : vector<400x128xf32>
    %add3A_111 = arith.constant 9.99999974E-6 : f32
    %add3A_112 = vector.broadcast %add3A_111 : f32 to vector<400x1xf32>
    %add3A_113 = arith.addf %div3A_105, %add3A_112 : vector<400x1xf32>
    %rsqrt3A = math.rsqrt %add3A_113 : vector<400x1xf32>
    %mul3A_114 = vector.broadcast %rsqrt3A : vector<400x1xf32> to vector<400x128xf32>
    %mul3A_115 = arith.mulf %mul3A_110, %mul3A_114 : vector<400x128xf32>
    %get3A_116 = arith.constant 0 : index
    %get3A_117 = arith.constant 0 : index
    %get3A_118 = vector.load %arg19[%get3A_116, %get3A_117] : memref<1x128xf32, #tpu.memory_space<vmem>>, vector<1x128xf32>
    %add3A_119 = vector.broadcast %get3A_118 : vector<1x128xf32> to vector<400x128xf32>
    %add3A_120 = arith.addf %mul3A_115, %add3A_119 : vector<400x128xf32>
    %swap3A = arith.constant 0 : index
    %swap3A_121 = arith.constant 0 : index
    %swap3A_122 = vector.load %arg20[%swap3A, %swap3A_121] : memref<400x128xf32, #tpu.memory_space<vmem>>, vector<400x128xf32>
    tpu.vector_store %arg20[%swap3A, %swap3A_121], %add3A_120 {strides = array<i32>} : memref<400x128xf32, #tpu.memory_space<vmem>>, vector<400x128xf32>,
    return
  }
  func.func @transform_0(%arg0: i32) -> (i32, i32) {
    %c0_i32 = arith.constant 0 : i32
    %c0_i32_0 = arith.constant 0 : i32
    return %arg0, %c0_i32 : i32, i32
  }
  func.func @transform_1(%arg0: i32) -> (i32, i32) {
    %c0_i32 = arith.constant 0 : i32
    %c0_i32_0 = arith.constant 0 : i32
    return %arg0, %c0_i32 : i32, i32
  }
  func.func @transform_2(%arg0: i32) -> (i32, i32) {
    %c0_i32 = arith.constant 0 : i32
    %c0_i32_0 = arith.constant 0 : i32
    return %arg0, %c0_i32 : i32, i32
  }
  func.func @transform_3(%arg0: i32) -> (i32, i32) {
    %c0_i32 = arith.constant 0 : i32
    %c0_i32_0 = arith.constant 0 : i32
    return %arg0, %c0_i32 : i32, i32
  }
  func.func @transform_4(%arg0: i32) -> (i32, i32) {
    %c0_i32 = arith.constant 0 : i32
    %c0_i32_0 = arith.constant 0 : i32
    return %arg0, %c0_i32 : i32, i32
  }
  func.func @transform_5(%arg0: i32) -> (i32, i32) {
    %c0_i32 = arith.constant 0 : i32
    %c0_i32_0 = arith.constant 0 : i32
    return %arg0, %c0_i32 : i32, i32
  }
  func.func @transform_6(%arg0: i32) -> (i32, i32) {
    %c0_i32 = arith.constant 0 : i32
    %c0_i32_0 = arith.constant 0 : i32
    %c0_i32_1 = arith.constant 0 : i32
    return %c0_i32, %c0_i32_0 : i32, i32
  }
  func.func @transform_7(%arg0: i32) -> (i32, i32) {
    %c0_i32 = arith.constant 0 : i32
    %c0_i32_0 = arith.constant 0 : i32
    %c0_i32_1 = arith.constant 0 : i32
    return %c0_i32, %c0_i32_0 : i32, i32
  }
  func.func @transform_8(%arg0: i32) -> (i32, i32) {
    %c0_i32 = arith.constant 0 : i32
    %c0_i32_0 = arith.constant 0 : i32
    %c0_i32_1 = arith.constant 0 : i32
    return %c0_i32, %c0_i32_0 : i32, i32
  }
  func.func @transform_9(%arg0: i32) -> (i32, i32) {
    %c0_i32 = arith.constant 0 : i32
    %c0_i32_0 = arith.constant 0 : i32
    %c0_i32_1 = arith.constant 0 : i32
    return %c0_i32, %c0_i32_0 : i32, i32
  }
  func.func @transform_10(%arg0: i32) -> (i32, i32) {
    %c0_i32 = arith.constant 0 : i32
    %c0_i32_0 = arith.constant 0 : i32
    %c0_i32_1 = arith.constant 0 : i32
    return %c0_i32, %c0_i32_0 : i32, i32
  }
  func.func @transform_11(%arg0: i32) -> (i32, i32) {
    %c0_i32 = arith.constant 0 : i32
    %c0_i32_0 = arith.constant 0 : i32
    %c0_i32_1 = arith.constant 0 : i32
    return %c0_i32, %c0_i32_0 : i32, i32
  }
  func.func @transform_12(%arg0: i32) -> (i32, i32) {
    %c0_i32 = arith.constant 0 : i32
    %c0_i32_0 = arith.constant 0 : i32
    %c0_i32_1 = arith.constant 0 : i32
    return %c0_i32, %c0_i32_0 : i32, i32
  }
  func.func @transform_13(%arg0: i32) -> (i32, i32) {
    %c0_i32 = arith.constant 0 : i32
    %c0_i32_0 = arith.constant 0 : i32
    %c0_i32_1 = arith.constant 0 : i32
    return %c0_i32, %c0_i32_0 : i32, i32
  }
  func.func @transform_14(%arg0: i32) -> (i32, i32) {
    %c0_i32 = arith.constant 0 : i32
    %c0_i32_0 = arith.constant 0 : i32
    %c0_i32_1 = arith.constant 0 : i32
    return %c0_i32, %c0_i32_0 : i32, i32
  }
  func.func @transform_15(%arg0: i32) -> (i32, i32) {
    %c0_i32 = arith.constant 0 : i32
    %c0_i32_0 = arith.constant 0 : i32
    %c0_i32_1 = arith.constant 0 : i32
    return %c0_i32, %c0_i32_0 : i32, i32
  }
  func.func @transform_16(%arg0: i32) -> (i32, i32) {
    %c0_i32 = arith.constant 0 : i32
    %c0_i32_0 = arith.constant 0 : i32
    %c0_i32_1 = arith.constant 0 : i32
    return %c0_i32, %c0_i32_0 : i32, i32
  }
  func.func @transform_17(%arg0: i32) -> (i32, i32) {
    %c0_i32 = arith.constant 0 : i32
    %c0_i32_0 = arith.constant 0 : i32
    %c0_i32_1 = arith.constant 0 : i32
    return %c0_i32, %c0_i32_0 : i32, i32
  }
  func.func @transform_18(%arg0: i32) -> (i32, i32) {
    %c0_i32 = arith.constant 0 : i32
    %c0_i32_0 = arith.constant 0 : i32
    %c0_i32_1 = arith.constant 0 : i32
    return %c0_i32, %c0_i32_0 : i32, i32
  }
  func.func @transform_19(%arg0: i32) -> (i32, i32) {
    %c0_i32 = arith.constant 0 : i32
    %c0_i32_0 = arith.constant 0 : i32
    return %arg0, %c0_i32 : i32, i32
  }
}

</mosaic_0001>

<sc_bundles>
// kernel: kernel.5.cloned.1.call-start
scs
__scs_entry_jumppad:
0x0: {  	(pc) =	sbr.rel $0x88, $3  }
0x1: {  	(tag) =	ssettag $0x0;
	lr =	simm.s32 $0x1  }
0x2: {  	[smem:$0x3F94] =	sst lr;
	_ =	strace $0xD0000000  }
0x3: {  	_ = 	snop  }
0x4: {  	_ = 	snop  }
0x5: {  	_ = 	snop  }
0x6: {  	_ = 	snop  }
0x7: {  	_ = 	snop  }
__scs_overlays_trampoline_lowered:
0x8: {  	[smem:$0x3FA3] =	sst s0  }
0x9: {  	[smem:$0x3FA4] =	sst s1  }
0xa: {  	[smem:$0x3FA5] =	sst s2  }
0xb: {  	[smem:$0x3FA6] =	sst s3  }
0xc: {  	[smem:$0x3FA7] =	sst s4  }
0xd: {  	[smem:$0x3FA8] =	sst s5  }
0xe: {  	[smem:$0x3FA9] =	sst s6  }
0xf: {  	[smem:$0x3FAA] =	sst s7  }
0x10: {  	[smem:$0x3FAB] =	sst s8  }
0x11: {  	[smem:$0x3FAC] =	sst s9;
	s0 =	simm.s32 @!p0 $0x0  }
0x12: {  	s1 =	sld [smem:$0x3F92];
	s0 =	simm.s32 @p0 $0x1  }
0x13: {  	[smem:$0x3FAD] =	sst s0;
	s0 =	simm.s32 @!p1 $0x0  }
0x14: {  	s2 =	sld [smem:$0x3F91];
	s0 =	simm.s32 @p1 $0x1  }
0x15: {  	[smem:$0x3FAE] =	sst s0;
	s0 =	simm.s32 @!p2 $0x0  }
0x16: {  	s3 =	sld [smem:$0x3FDB];
	s0 =	simm.s32 @p2 $0x1  }
0x17: {  	s4 =	simm.s32 $0x1BF5;
	[smem:$0x3FB0] =	sst s0  }
0x18: {  	s0 =	sld [smem:$0x3F93];
	_ =	swait.ge [sflag:s4], $0x0  }
0x19: {  	s7 =	sld [smem:$0x3F94]  }
0x1a: {  	s8 =	sadd.s32 $0xFFFFE003, lr  }
0x1b: {  	s9 =	sadd.s32 $0xFFFFFEF7, lr;
	s5 =	simm.s32 $0xFFFFFFFF;
	p2 =	slt.u32 s8, $0xFFFFF086  }
0x1c: {  	p1 =	slt.u32 s9, $0xF7A;
	s5 =	simm.s32 @!p2 $0x0  }
0x1d: {  	s5 =	simm.s32 @p1 $0x1;
	p0 =	seq.s32 s7, s2  }
0x1e: {  	s7 =	smul.u32 @!p0 $0xF7A, s2;
	p2 =	seq.s32 @!p0 s5, $0x0  }
0x1f: {  	s9 =	smul.u32 $0xF7A, s1;
	s8 =	simm.s32 @!p0 $0x1BF5;
	p2 =	por !p2, p0  }
0x20: {  	[sflag:s8] =	ssyncset.s32 @!p0 $0xFFFFF086;
	s6 =	sadd.s32 @!p0 s3, s7;
	s7 =	simm.s32 @!p0 $0x108  }
0x21: {  	s3 =	sadd.s32 s3, s9;
	s6 =	sadd.s32 @!p0 $0x88, s6;
	s7 =	simm.s32 @p2 $0x1082  }
0x22: {  	[simem:s7], [sflag:s8] =	dma.local @!p0 [hbm:s6], $0xF7A  }
0x23: {  	s9 =	sor.u32 $0xD0000000, s2;
	s6 =	simm.s32 $0x108;
	_ =	swait.ge @!p0 [sflag:s8], $0x0  }
0x24: {  	s3 =	sadd.s32 $0x88, s3;
	s6 =	simm.s32 @!p1 $0x1082;
	[sflag:s4] =	ssyncset.s32 $0xFFFFF086  }
0x25: {  	[simem:s6], [sflag:s4] =	dma.local [hbm:s3], $0xF7A  }
0x26: {  	[smem:$0x3F94] =	sst s1;
	(tag) =	ssettag s2;
	_ =	strace s9  }
0x27: {  	s1 =	sld [smem:$0x3FA4]  }
0x28: {  	s2 =	sld [smem:$0x3FA5]  }
0x29: {  	s4 =	sld [smem:$0x3FA7]  }
0x2a: {  	p0 =	seq.s32 s5, $0x0;
	s5 =	sld [smem:$0x3FA8]  }
0x2b: {  	s6 =	sld [smem:$0x3FA9]  }
0x2c: {  	s7 =	sld [smem:$0x3FAA]  }
0x2d: {  	s3 =	simm.s32 $0x108;
	s8 =	sld [smem:$0x3FAB]  }
0x2e: {  	s3 =	simm.s32 @!p0 $0x1082;
	s9 =	sld [smem:$0x3FAC]  }
0x2f: {  	lr =	sadd.s32 s0, s3;
	s0 =	sld [smem:$0x3FA3]  }
0x30: {  	s3 =	sld [smem:$0x3FA6]  }
0x31: {  	[smem:$0x3FAF] =	sst s10  }
0x32: {  	s10 =	sld [smem:$0x3FAD];
	_ =	sdelay $0x3  }
0x33: {  	p0 =	seq.s32 s10, $0x1;
	s10 =	sld [smem:$0x3FAF];
	_ =	sdelay $0x3  }
0x34: {  	[smem:$0x3FAF] =	sst s10  }
0x35: {  	s10 =	sld [smem:$0x3FAE];
	_ =	sdelay $0x3  }
0x36: {  	p1 =	seq.s32 s10, $0x1;
	s10 =	sld [smem:$0x3FAF];
	_ =	sdelay $0x3  }
0x37: {  	[smem:$0x3FAF] =	sst s10  }
0x38: {  	s10 =	sld [smem:$0x3FB0]  }
0x39: {  	_ = 	snop;
	(pc) =	sbr.ind lr, $3  }
0x3a: {  	_ = 	snop  }
0x3b: {  	_ = 	snop  }
0x3c: {  	p2 =	seq.s32 s10, $0x1;
	s10 =	sld [smem:$0x3FAF]  }
0x3d: {  	_ =	shalt  }
0x3e: {  	_ =	shalt  }
0x3f: {  	_ =	shalt  }
0x40: {  	_ =	shalt  }
0x41: {  	_ =	shalt  }
0x42: {  	_ =	shalt  }
0x43: {  	_ =	shalt  }
0x44: {  	_ =	shalt  }
0x45: {  	_ =	shalt  }
0x46: {  	_ =	shalt  }
0x47: {  	_ =	shalt  }
0x48: {  	_ =	shalt  }
0x49: {  	_ =	shalt  }
0x4a: {  	_ =	shalt  }
0x4b: {  	_ =	shalt  }
0x4c: {  	_ =	shalt  }
0x4d: {  	_ =	shalt  }
0x4e: {  	_ =	shalt  }
0x4f: {  	_ =	shalt  }
0x50: {  	_ =	shalt  }
0x51: {  	_ =	shalt  }
0x52: {  	_ =	shalt  }
0x53: {  	_ =	shalt  }
0x54: {  	_ =	shalt  }
0x55: {  	_ =	shalt  }
0x56: {  	_ =	shalt  }
0x57: {  	_ =	shalt  }
0x58: {  	_ =	shalt  }
0x59: {  	_ =	shalt  }
0x5a: {  	_ =	shalt  }
0x5b: {  	_ =	shalt  }
0x5c: {  	_ =	shalt  }
0x5d: {  	_ =	shalt  }
0x5e: {  	_ =	shalt  }
0x5f: {  	_ =	shalt  }
0x60: {  	_ =	shalt  }
0x61: {  	_ =	shalt  }
0x62: {  	_ =	shalt  }
0x63: {  	_ =	shalt  }
0x64: {  	_ =	shalt  }
0x65: {  	_ =	shalt  }
0x66: {  	_ =	shalt  }
0x67: {  	_ =	shalt  }
0x68: {  	_ =	shalt  }
0x69: {  	_ =	shalt  }
0x6a: {  	_ =	shalt  }
0x6b: {  	_ =	shalt  }
0x6c: {  	_ =	shalt  }
0x6d: {  	_ =	shalt  }
0x6e: {  	_ =	shalt  }
0x6f: {  	_ =	shalt  }
0x70: {  	_ =	shalt  }
0x71: {  	_ =	shalt  }
0x72: {  	_ =	shalt  }
0x73: {  	_ =	shalt  }
0x74: {  	_ =	shalt  }
0x75: {  	_ =	shalt  }
0x76: {  	_ =	shalt  }
0x77: {  	_ =	shalt  }
0x78: {  	_ =	shalt  }
0x79: {  	_ =	shalt  }
0x7a: {  	_ =	shalt  }
0x7b: {  	_ =	shalt  }
0x7c: {  	_ =	shalt  }
0x7d: {  	_ =	shalt  }
0x7e: {  	_ =	shalt  }
0x7f: {  	_ =	shalt  }
0x80: {  	_ =	shalt  }
0x81: {  	_ =	shalt  }
0x82: {  	_ =	shalt  }
0x83: {  	_ =	shalt  }
0x84: {  	_ =	shalt  }
0x85: {  	_ =	shalt  }
0x86: {  	_ =	shalt  }
0x87: {  	_ =	shalt  }
.Lfunc_end0:
.L_simem_size_0:
called_computation_lowered:
.L_overlay_start_0:
0x88: {  	s2 =	sld [smem:$0x3FD9]  }
0x89: {  	s3 =	sld [smem:$0x3FFE];
	_ =	sdelay $0x1  }
0x8a: {  	s1 =	srdreg.scid  }
0x8b: {  	s0 =	sand.u32 $0x1, s1  }
0x8c: {  	s17 =	sshll.u32 s0, $0xA;
	s2 =	sadd.s32 s3, s2  }
0x8d: {  	s2 =	sadd.s32 s2, s17  }
0x8e: {  	[smem:$0x3FBB] =	sst s2  }
0x8f: {  	_ = 	snop  }
0x90: {  	s2 =	sld [smem:$0x3FD0];
	(tm) =	ssettm $0x1  }
0x91: {  	s18 =	sld [smem:$0x3FFB];
	_ =	sdelay $0x3  }
0x92: {  	_ =	strace s18  }
0x93: {  	s3 =	sld [smem:$0x3FFC];
	_ =	sdelay $0x3  }
0x94: {  	_ =	strace s3  }
0x95: {  	s3 =	sld [smem:$0x3FFD];
	_ =	sdelay $0x3  }
0x96: {  	_ =	strace s3  }
0x97: {  	_ =	strace $0x8FFFFFFF  }
0x98: {  	s19 =	sld [smem:$0x3FDB];
	_ =	sdelay $0x1  }
0x99: {  	s4 =	simm.s32 $_scs_section_size  }
0x9a: {  	s5 =	simm.s32 $_size__tile_overlayer_lowered;
	s6 =	simm.s32 $_tile_overlayer_lowered  }
0x9b: {  	s22 =	simm.s32 $0x1BFF;
	s21 =	sshll.u32 s6, $0x1;
	s3 =	sadd.s32 s4, s19  }
0x9c: {  	s7 =	simm.s32 $0x0;
	s20 =	sshll.u32 s5, $0x1;
	s5 =	sadd.s32 s21, s3  }
0x9d: {  	[timem:s7], [sflag:s22] =	dma.local [hbm:s5], s20  }
0x9e: {  	_ =	swait.ge [sflag:s22], s20  }
0x9f: {  	s4 =	ssub.s32 $0x0, s20;
	[sflag:s22] =	ssyncset.done $0x0  }
0xa0: {  	[sflag:s22] =	ssyncadd.s32 s4;
	_ =	sdelay $0x1  }
0xa1: {  	s23 =	simm.s32 $0x1B8B  }
0xa2: {  	_ =	swait.ge [sflag:s23], $0x1  }
0xa3: {  	[sflag:s23] =	ssyncset.done $0x0  }
0xa4: {  	s25 =	simm.s32 $0x1B8E;
	s24 =	sld [smem:$0x3FFE];
	[sflag:s23] =	ssyncadd.s32 $0xFFFFFFFF  }
0xa5: {  	s26 =	simm.s32 $execute0_lowered;
	[smem:$0x3FD2] =	sst s25  }
0xa6: {  	s5 =	sshll.u32 s26, $0x1;
	_ =	strace $0x80000046;
	[dreg:$0x1] =	wrdreg $0xFFFFFFFF  }
0xa7: {  	s28 =	simm.s32 $_size_execute0_lowered;
	s3 =	sadd.s32 s3, s5;
	[dreg:$0x0] =	wrdreg $0x0  }
0xa8: {  	s5 =	sshll.u32 s28, $0x1;
	[dreg:$0x2] =	wrdreg s3  }
0xa9: {  	[dreg:$0x3] =	wrdreg s5  }
0xaa: {  	[dreg:$0x4] =	wrdreg $0xC0  }
0xab: {  	_ =	task [dreg:s7], $0x5FFFF  }
0xac: {  	[dreg:$0x1] =	wrdreg $0xFFFFFFFF  }
0xad: {  	[dreg:$0x0] =	wrdreg $0x60  }
0xae: {  	[dreg:$0x2] =	wrdreg s24  }
0xaf: {  	[dreg:$0x3] =	wrdreg s2  }
0xb0: {  	[dreg:$0x4] =	wrdreg $0x37F00  }
0xb1: {  	[dreg:$0x5] =	wrdreg $0x177F00  }
0xb2: {  	[dreg:$0x6] =	wrdreg $0x9  }
0xb3: {  	_ =	task.clear_ibuf [dreg:s7], $0x7FFFF;
	_ =	strace $0x90000046  }
0xb4: {  	s29 =	simm.s32 $0x9;
	_ =	strace $0x80000048  }
0xb5: {  	_ =	swait.ge [sflag:s29], $0x1  }
0xb6: {  	[sflag:s29] =	ssyncadd.s32 $0xFFFFFFFF  }
0xb7: {  	_ =	strace $0x90000048  }
0xb8: {  	_ =	sfence  }
0xb9: {  	s30 =	sld [smem:$0x0];
	_ =	sdelay $0x2  }
0xba: {  	s31 =	sshll.u32 s1, $0xD;
	s1 =	sshrl.u32 s1, $0x2  }
0xbb: {  	s3 =	sand.u32 $0x4000, s31;
	s1 =	sadd.s32 s1, s30  }
0xbc: {  	s0 =	sor.u32 s3, s0;
	s1 =	sshll.u32 s1, $0x11  }
0xbd: {  	s0 =	sor.u32 s1, s0  }
0xbe: {  	s0 =	sadd.s32 $0x8F2B, s0  }
0xbf: {  	[sflag:s0] =	ssyncadd.remote.s32 $0x1  }
0xc0: {  	_ =	sfence.sel $0xFFFF  }
0xc1: {  	[dreg:$0x0] =	wrdreg $0xFFFFFFFF;
	(pc) =	sbr.abs _section_cstart, $3  }
0xc2: {  	[dreg:$0x1] =	wrdreg $0xFFFFFFFF  }
0xc3: {  	_ =	task.clear_ibuf [dreg:s7], $0x2FFFF;
	_ =	strace $0x9FFFFFFF  }
0xc4: {  	(tm) =	ssettm $0x7FFFFFFF  }
0xc5: {  	_ =	shalt  }
tec
execute0_lowered:
.L_overlay_start_1:
0x0: {  	(tag) =	ssettag $0x1  }
0x1: {  	s0 =	rddreg [dreg:$0x0]  }
0x2: {  	s1 =	rddreg [dreg:$0x1]  }
0x3: {  	s2 =	rddreg [dreg:$0x2]  }
0x4: {  	s3 =	rddreg [dreg:$0x3];
	s17 =	stileid.u32  }
0x5: {  	s5 =	simm.s32 $0x0;
	s8 =	srdreg.scid;
	s4 =	smul.u32 $0x14000, s17  }
0x6: {  	s31 =	simm.s32 $0xF0;
	[smem:$0x7FF] =	sst s5;
	s10 =	smul.u32 $0x2800, s17  }
0x7: {  	s6 =	sadd.s32 $0x64400, s0;
	s7 =	sadd.s32 $0xC400, s0;
	s15 =	smul.u32 $0x280, s17  }
0x8: {  	s11 =	sand.u32 $0x1, s8;
	s8 =	sadd.s32 $0x2600, s0;
	s30 =	smul.u32 $0x4E20, s17  }
0x9: {  	_ =	strace $0x80000047;
	s12 =	ssub.s32 $0x2, s11;
	p0 =	sne.s32 s11, $0x0  }
0xa: {  	s9 =	sshrl.u32 s4, $0x3;
	s13 =	sshrl.u32 s10, $0x3;
	s14 =	sshrl.u32 s12, $0x1  }
0xb: {  	s10 =	sadd.s32 s10, s3;
	s23 =	sor.u32 $0x50, s15;
	s25 =	sadd.s32 $0xA0, s15  }
0xc: {  	s20 =	sadd.s32 $0x140, s15;
	s22 =	sadd.s32 $0x190, s15;
	s16 =	sadd.s32 s9, s0  }
0xd: {  	s0 =	sadd.s32 s13, s0;
	s12 =	ssub.s32 s12, s14;
	s9 =	sadd.s32 s4, s2  }
0xe: {  	s24 =	sshll.u32 s23, $0x7;
	s4 =	sshll.u32 s23, $0x4;
	s26 =	sshll.u32 s25, $0x7  }
0xf: {  	s14 =	sadd.s32 $0xF0, s15;
	s21 =	sshll.u32 s20, $0x7;
	s23 =	sshll.u32 s22, $0x7  }
0x10: {  	s13 =	sadd.s32 s24, s2;
	s4 =	sadd.s32 s4, s3;
	s18 =	sshll.u32 s14, $0x7  }
0x11: {  	s24 =	sshll.u32 s22, $0x4;
	s28 =	sadd.s32 $0xB2600, s0;
	s29 =	smax.u32 s12, $0x1  }
0x12: {  	s0 =	simm.s32 $0x2;
	s12 =	simm.s32 $0xA0;
	[dreg:$0x5] =	wrdreg s13  }
0x13: {  	[dreg:$0x6] =	wrdreg s4;
	s4 =	sadd.s32 s26, s2;
	s13 =	sshll.u32 s25, $0x4  }
0x14: {  	s25 =	sadd.s32 $0x1E0, s15;
	s26 =	sadd.s32 $0x230, s15;
	[dreg:$0x7] =	wrdreg s4  }
0x15: {  	s4 =	sadd.s32 s13, s3;
	s13 =	sshll.u32 s14, $0x4;
	s15 =	sshll.u32 s25, $0x7  }
0x16: {  	s14 =	simm.s32 $0x0;
	[dreg:$0x8] =	wrdreg s4;
	s4 =	sadd.s32 s18, s2  }
0x17: {  	s19 =	sadd.s32 s13, s3;
	s13 =	sadd.s32 s21, s2;
	[dreg:$0x9] =	wrdreg s4  }
0x18: {  	s21 =	sadd.s32 s15, s2;
	s18 =	sshll.u32 s26, $0x7;
	[dreg:$0xa] =	wrdreg s19  }
0x19: {  	s4 =	sshll.u32 s20, $0x4;
	[dreg:$0xb] =	wrdreg s13;
	s20 =	sadd.s32 s24, s3  }
0x1a: {  	s13 =	sshll.u32 s25, $0x4;
	s19 =	smul.u32 $0x2710, s11;
	s25 =	sadd.s32 $0xDF600, s16  }
0x1b: {  	v0 =	vlaneseq.u32;
	s11 =	simm.s32 $0x50;
	s4 =	sadd.s32 s4, s3;
	s22 =	sadd.s32 s13, s3  }
0x1c: {  	v1 =	vimm.f32 $0.0e+00;
	vm0 =	vcmask $0x1310;
	v2 =	vmul.u32 $0xFFFFFFFF, v0;
	s13 =	simm.s32 $0x1;
	[dreg:$0xc] =	wrdreg s4;
	s4 =	sadd.s32 s23, s2  }
0x1d: {  	v3 =	vsel vm0, $0x3F800000, v1;
	s23 =	sadd.s32 s18, s2;
	[dreg:$0xd] =	wrdreg s4;
	s4 =	sshll.u32 s26, $0x4  }
0x1e: {  	vm0 =	vmmov $0xf;
	v2 =	vadd.s32 $0xF, v2;
	v0 =	vmov s19;
	s26 =	sadd.s32 $0xB7600, s16;
	s24 =	sadd.s32 s4, s3;
	s4 =	simm.s32 $0x32F0  }
.LBB2_1:
0x1f: {  	s15 =	simm.s32 $0x0;
	s16 =	simm.s32 $0x200  }
.LBB2_2:
0x20: {  	p1 =	sne.s32 s16, $0x9E00;
	[tilespmem:s15+$0x160] =	vst v1  }
0x21: {  	[tilespmem:s15+$0xF0] =	vst v1  }
0x22: {  	[tilespmem:s15+$0x100] =	vst v1  }
.Ltmp0:
0x23: {  	[tilespmem:s15+$0x110] =	vst v1;
	(pc) =	sbr.rel @p1 .LBB2_2-.Ltmp0, $4  }
0x24: {  	[tilespmem:s15+$0x120] =	vst v1  }
0x25: {  	[tilespmem:s15+$0x130] =	vst v1  }
0x26: {  	[tilespmem:s15+$0x140] =	vst v1  }
0x27: {  	[tilespmem:s15+$0x150] =	vst v1;
	s15 =	sshra.s32 s16, $0x2;
	s16 =	sadd.s32 $0x200, s16  }
0x28: {  	[tilespmem:s15+$0x160] =	vst v1  }
0x29: {  	[tilespmem:s15+$0xF0] =	vst v1  }
0x2a: {  	[tilespmem:s15+$0x100] =	vst v1  }
0x2b: {  	[tilespmem:s15+$0x110] =	vst v1  }
0x2c: {  	[tilespmem:s15+$0x120] =	vst v1  }
0x2d: {  	[tilespmem:s15+$0x130] =	vst v1  }
0x2e: {  	[tilespmem:s15+$0x140] =	vst v1  }
0x2f: {  	[tilespmem:s15+$0x150] =	vst v1;
	s15 =	simm.s32 $0x40;
	s16 =	simm.s32 $0x0  }
.LBB2_4:
0x30: {  	p1 =	sne.s32 s15, $0x13C0;
	[tilespmem:s16+$0x2DF0] =	vst v1;
	s17 =	smov.u32 s15;
	s15 =	sadd.s32 $0x40, s15  }
.Ltmp1:
0x31: {  	[tilespmem:s16+$0x32F0] =	vst v1;
	(pc) =	sbr.rel @p1 .LBB2_4-.Ltmp1, $2  }
0x32: {  	[tilespmem:s16+$0x28F0] =	vst v1;
	_ =	sdelay $0x2  }
0x33: {  	s16 =	sshra.s32 s17, $0x2  }
0x34: {  	[tilespmem:s16+$0x2DF0] =	vst v1  }
0x35: {  	[tilespmem:s16+$0x32F0] =	vst v1  }
0x36: {  	[tilespmem:s16+$0x28F0] =	vst v1  }
0x37: {  	[spmem:s9] =	stream.linear.scatter [tilespmem:s31], [sflag:$0x2], $0x2800, $0x38;
	[tilespmem:$0x19FF0] =	vst v63  }
0x38: {  	_ =	swait.ge [sflag:s0], $0x2800  }
0x39: {  	[sflag:s0] =	ssyncset.done $0x0  }
0x3a: {  	[sflag:s0] =	ssyncadd.s32 $0xFFFFD800  }
0x3b: {  	[spmem:s10] =	stream.linear.scatter [tilespmem:s4], [sflag:$0x2], $0x500, $0x38;
	[tilespmem:$0x19FF0] =	vst v63  }
0x3c: {  	_ =	swait.ge [sflag:s0], $0x500  }
0x3d: {  	[sflag:s0] =	ssyncset.done $0x0  }
0x3e: {  	s15 =	rddreg [dreg:$0x5];
	[sflag:s0] =	ssyncadd.s32 $0xFFFFFB00  }
0x3f: {  	[spmem:s15] =	stream.linear.scatter [tilespmem:s31], [sflag:$0x2], $0x2800, $0x38;
	[tilespmem:$0x19FF0] =	vst v63  }
0x40: {  	_ =	swait.ge [sflag:s0], $0x2800  }
0x41: {  	[sflag:s0] =	ssyncset.done $0x0  }
0x42: {  	s16 =	rddreg [dreg:$0x6];
	[sflag:s0] =	ssyncadd.s32 $0xFFFFD800  }
0x43: {  	[spmem:s16] =	stream.linear.scatter [tilespmem:s4], [sflag:$0x2], $0x500, $0x38;
	[tilespmem:$0x19FF0] =	vst v63  }
0x44: {  	_ =	swait.ge [sflag:s0], $0x500  }
0x45: {  	[sflag:s0] =	ssyncset.done $0x0  }
0x46: {  	s17 =	rddreg [dreg:$0x7];
	[sflag:s0] =	ssyncadd.s32 $0xFFFFFB00  }
0x47: {  	[spmem:s17] =	stream.linear.scatter [tilespmem:s31], [sflag:$0x2], $0x2800, $0x38;
	[tilespmem:$0x19FF0] =	vst v63  }
0x48: {  	_ =	swait.ge [sflag:s0], $0x2800  }
0x49: {  	[sflag:s0] =	ssyncset.done $0x0  }
0x4a: {  	s18 =	rddreg [dreg:$0x8];
	[sflag:s0] =	ssyncadd.s32 $0xFFFFD800  }
0x4b: {  	[spmem:s18] =	stream.linear.scatter [tilespmem:s4], [sflag:$0x2], $0x500, $0x38;
	[tilespmem:$0x19FF0] =	vst v63  }
0x4c: {  	_ =	swait.ge [sflag:s0], $0x500  }
0x4d: {  	[sflag:s0] =	ssyncset.done $0x0  }
0x4e: {  	s19 =	rddreg [dreg:$0x9];
	[sflag:s0] =	ssyncadd.s32 $0xFFFFFB00  }
0x4f: {  	[spmem:s19] =	stream.linear.scatter [tilespmem:s31], [sflag:$0x2], $0x2800, $0x38;
	[tilespmem:$0x19FF0] =	vst v63  }
0x50: {  	_ =	swait.ge [sflag:s0], $0x2800  }
0x51: {  	[sflag:s0] =	ssyncset.done $0x0  }
0x52: {  	s16 =	rddreg [dreg:$0xa];
	[sflag:s0] =	ssyncadd.s32 $0xFFFFD800  }
0x53: {  	[spmem:s16] =	stream.linear.scatter [tilespmem:s4], [sflag:$0x2], $0x500, $0x38;
	[tilespmem:$0x19FF0] =	vst v63  }
0x54: {  	_ =	swait.ge [sflag:s0], $0x500  }
0x55: {  	[sflag:s0] =	ssyncset.done $0x0  }
0x56: {  	s17 =	rddreg [dreg:$0xb];
	[sflag:s0] =	ssyncadd.s32 $0xFFFFFB00  }
0x57: {  	[spmem:s17] =	stream.linear.scatter [tilespmem:s31], [sflag:$0x2], $0x2800, $0x38;
	[tilespmem:$0x19FF0] =	vst v63  }
0x58: {  	_ =	swait.ge [sflag:s0], $0x2800  }
0x59: {  	[sflag:s0] =	ssyncset.done $0x0  }
0x5a: {  	s18 =	rddreg [dreg:$0xc];
	[sflag:s0] =	ssyncadd.s32 $0xFFFFD800  }
0x5b: {  	[spmem:s18] =	stream.linear.scatter [tilespmem:s4], [sflag:$0x2], $0x500, $0x38;
	[tilespmem:$0x19FF0] =	vst v63  }
0x5c: {  	_ =	swait.ge [sflag:s0], $0x500  }
0x5d: {  	[sflag:s0] =	ssyncset.done $0x0  }
0x5e: {  	s19 =	rddreg [dreg:$0xd];
	[sflag:s0] =	ssyncadd.s32 $0xFFFFFB00  }
0x5f: {  	[spmem:s19] =	stream.linear.scatter [tilespmem:s31], [sflag:$0x2], $0x2800, $0x38;
	[tilespmem:$0x19FF0] =	vst v63  }
0x60: {  	_ =	swait.ge [sflag:s0], $0x2800  }
0x61: {  	[sflag:s0] =	ssyncset.done $0x0  }
0x62: {  	[sflag:s0] =	ssyncadd.s32 $0xFFFFD800  }
0x63: {  	[spmem:s20] =	stream.linear.scatter [tilespmem:s4], [sflag:$0x2], $0x500, $0x38;
	[tilespmem:$0x19FF0] =	vst v63  }
0x64: {  	_ =	swait.ge [sflag:s0], $0x500  }
0x65: {  	[sflag:s0] =	ssyncset.done $0x0  }
0x66: {  	[sflag:s0] =	ssyncadd.s32 $0xFFFFFB00  }
0x67: {  	[spmem:s21] =	stream.linear.scatter [tilespmem:s31], [sflag:$0x2], $0x2800, $0x38;
	[tilespmem:$0x19FF0] =	vst v63  }
0x68: {  	_ =	swait.ge [sflag:s0], $0x2800  }
0x69: {  	[sflag:s0] =	ssyncset.done $0x0  }
0x6a: {  	[sflag:s0] =	ssyncadd.s32 $0xFFFFD800  }
0x6b: {  	[spmem:s22] =	stream.linear.scatter [tilespmem:s4], [sflag:$0x2], $0x500, $0x38;
	[tilespmem:$0x19FF0] =	vst v63  }
0x6c: {  	_ =	swait.ge [sflag:s0], $0x500  }
0x6d: {  	[sflag:s0] =	ssyncset.done $0x0  }
0x6e: {  	[sflag:s0] =	ssyncadd.s32 $0xFFFFFB00  }
0x6f: {  	[spmem:s23] =	stream.linear.scatter [tilespmem:s31], [sflag:$0x2], $0x2800, $0x38;
	[tilespmem:$0x19FF0] =	vst v63  }
0x70: {  	_ =	swait.ge [sflag:s0], $0x2800  }
0x71: {  	[sflag:s0] =	ssyncset.done $0x0  }
0x72: {  	[sflag:s0] =	ssyncadd.s32 $0xFFFFD800  }
0x73: {  	[spmem:s24] =	stream.linear.scatter [tilespmem:s4], [sflag:$0x2], $0x500, $0x38;
	[tilespmem:$0x19FF0] =	vst v63  }
0x74: {  	_ =	swait.ge [sflag:s0], $0x500  }
0x75: {  	[sflag:s0] =	ssyncset.done $0x0  }
0x76: {  	[sflag:s0] =	ssyncadd.s32 $0xFFFFFB00  }
0x77: {  	s15 =	simm.s32 $0x0;
	[bflag:$0x0] =	sbarrier.arrive $0xFFFF  }
.LBB2_6:
0x78: {  	s16 =	smul.u32 $0x50, s15;
	_ =	sdelay $0x1  }
0x79: {  	s16 =	sadd.s32 s30, s16  }
0x7a: {  	s16 =	sshrl.u32 s16, $0x3  }
0x7b: {  	s17 =	sadd.s32 s7, s16  }
0x7c: {  	[tilespmem:s5], [sflag:$0x2] =	stream.linear.gather [hbm4b:s17+s5], $0x50, $0x38;
	[tilespmem:$0x19FF0] =	vst v63  }
0x7d: {  	_ =	swait.ge [sflag:s0], $0x50  }
0x7e: {  	[sflag:s0] =	ssyncset.done $0x0  }
0x7f: {  	s16 =	sadd.s32 s8, s16;
	[sflag:s0] =	ssyncadd.s32 $0xFFFFFFB0  }
0x80: {  	[tilespmem:s11], [sflag:$0x2] =	stream.linear.gather [hbm4b:s16+s5], $0x50, $0x38;
	[tilespmem:$0x19FF0] =	vst v63  }
0x81: {  	_ =	swait.ge [sflag:s0], $0x50  }
0x82: {  	[sflag:s0] =	ssyncset.done $0x0  }
0x83: {  	[sflag:s0] =	ssyncadd.s32 $0xFFFFFFB0  }
0x84: {  	v4 =	vld [tilespmem:$0x0]  }
0x85: {  	v5 =	vld [tilespmem:$0x10]  }
0x86: {  	v6 =	vld [tilespmem:$0x20]  }
0x87: {  	v7 =	vld [tilespmem:$0x30]  }
0x88: {  	v8 =	vld [tilespmem:$0x40]  }
0x89: {  	v4 =	vadd.s32 v0, v4  }
0x8a: {  	[tilespmem:$0xA0] =	vst v4;
	v4 =	vadd.s32 v0, v5  }
0x8b: {  	[tilespmem:$0xB0] =	vst v4;
	v4 =	vadd.s32 v0, v6  }
0x8c: {  	[tilespmem:$0xC0] =	vst v4;
	v4 =	vadd.s32 v0, v7  }
0x8d: {  	[tilespmem:$0xD0] =	vst v4;
	v4 =	vadd.s32 v0, v8  }
0x8e: {  	[tilespmem:$0xE0] =	vst v4  }
0x8f: {  	[tilespmem:s31], [sflag:$0x1] =	stream.indirect.gather [hbm4b:s6+s11], $0x80, s12, s11, $0xb8;
	[tilespmem:$0x19FF0] =	vst v63  }
0x90: {  	_ =	swait.ge [sflag:s13], $0x2800  }
0x91: {  	s18 =	simm.s32 @!p0 $0x28F0;
	[sflag:s13] =	ssyncset.done $0x0  }
0x92: {  	s17 =	simm.s32 @!p0 $0x0;
	s16 =	simm.s32 @!p0 $0x50;
	[sflag:s13] =	ssyncadd.s32 $0xFFFFD800  }
0x93: {  	[tilespmem:s18], [sflag:$0x1] =	stream.indirect.gather @!p0 [hbm4b:s1+s16], $0x10, s17, s16, $0xb8;
	[tilespmem:$0x19FF0] =	vst v63  }
0x94: {  	s17 =	simm.s32 @!p0 $0x1  }
0x95: {  	_ =	swait.ge @!p0 [sflag:s17], $0x500  }
0x96: {  	[sflag:s17] =	ssyncset.done @!p0 $0x0  }
0x97: {  	s18 =	simm.s32 @!p0 $0x2DF0;
	[sflag:s17] =	ssyncadd.s32 @!p0 $0xFFFFFB00  }
0x98: {  	[tilespmem:s18], [sflag:$0x1] =	stream.indirect.gather @!p0 [hbm4b:s1+s16], $0x10, s16, s16, $0xb8;
	[tilespmem:$0x19FF0] =	vst v63  }
0x99: {  	_ =	swait.ge @!p0 [sflag:s17], $0x500  }
0x9a: {  	[sflag:s17] =	ssyncset.done @!p0 $0x0  }
0x9b: {  	s19 =	simm.s32 $0x0;
	[sflag:s17] =	ssyncadd.s32 @!p0 $0xFFFFFB00  }
0x9c: {  	v4 =	vld [tilespmem:s19+$0x2DF0];
	_ =	sdelay $0x1  }
0x9d: {  	v5 =	vld [tilespmem:s19+$0x28F0];
	_ =	sdelay $0x2  }
0x9e: {  	v4 =	vperm.xlane v4, v2;
	_ =	sdelay $0x1  }
0x9f: {  	v4 =	vadd.f32 v4, v5;
	_ =	sdelay $0x1  }
0xa0: {  	v5 =	vmul.f32 $2.000000030e-01, v4;
	_ =	sdelay $0x1  }
0xa1: {  	v4 =	vmax.f32 v4, v5  }
0xa2: {  	v4 =	vmul.f32 $1.442695020e+00, v4;
	_ =	sdelay $0x1  }
0xa3: {  	(erf) = vpow2.f32 v4;
	_ =	sdelay $0x8  }
0xa4: {  	v4 =	vpop (erf)  }
0xa5: {  	v5 =	vsel vm0, v4, v3  }
0xa6: {  	s16 =	simm.s32 $0x130;
	[tilespmem:s19+$0x32F0] =	vst v5  }
0xa7: {  	v13 =	vld [tilespmem:s16+$0x30]  }
0xa8: {  	v12 =	vld [tilespmem:s16+$0xFFFFFFE0]  }
0xa9: {  	v10 =	vld [tilespmem:s16+$0x10]  }
0xaa: {  	v6 =	vbroadcast v4, $0x3;
	v7 =	vld [tilespmem:s16+$0x20]  }
0xab: {  	v11 =	vbroadcast v4, $0x2;
	v9 =	vld [tilespmem:s16+$0x0]  }
0xac: {  	s18 =	simm.s32 $0x130;
	s17 =	simm.s32 $0x40;
	v5 =	vbroadcast v4, $0x1;
	v8 =	vld [tilespmem:s16+$0xFFFFFFD0];
	v13 =	vmul.f32 v13, v6  }
.LBB2_7:
0xad: {  	p1 =	sne.s32 s17, $0x13C0  }
0xae: {  	v12 =	vmul.f32 v5, v12;
	v14 =	vld [tilespmem:s16+$0xFFFFFFF0];
	s18 =	sadd.s32 $0x80, s18;
	s19 =	smov.u32 s17;
	s17 =	sadd.s32 $0x40, s17  }
0xaf: {  	v15 =	vld [tilespmem:s16+$0xFFFFFFC0];
	v10 =	vmul.f32 v10, v11;
	[tilespmem:s16+$0x30] =	vst v13  }
0xb0: {  	v4 =	vbroadcast v4, $0x0;
	[tilespmem:s16+$0xFFFFFFE0] =	vst v12;
	v6 =	vmul.f32 v7, v6  }
0xb1: {  	v7 =	vmul.f32 v9, v11;
	[tilespmem:s16+$0x10] =	vst v10  }
0xb2: {  	v8 =	vmul.f32 v4, v8;
	[tilespmem:s16+$0x20] =	vst v6  }
0xb3: {  	v5 =	vmul.f32 v14, v5;
	[tilespmem:s16+$0x0] =	vst v7  }
0xb4: {  	v4 =	vmul.f32 v4, v15;
	[tilespmem:s16+$0xFFFFFFD0] =	vst v8  }
0xb5: {  	s19 =	sshra.s32 s19, $0x2;
	[tilespmem:s16+$0xFFFFFFF0] =	vst v5  }
0xb6: {  	[tilespmem:s16+$0xFFFFFFC0] =	vst v4;
	s16 =	smov.u32 s18  }
0xb7: {  	v4 =	vld [tilespmem:s19+$0x2DF0]  }
0xb8: {  	v5 =	vld [tilespmem:s19+$0x28F0];
	_ =	sdelay $0x3  }
0xb9: {  	v4 =	vperm.xlane v4, v2;
	_ =	sdelay $0x1  }
0xba: {  	v4 =	vadd.f32 v4, v5;
	_ =	sdelay $0x1  }
0xbb: {  	v5 =	vmul.f32 $2.000000030e-01, v4;
	_ =	sdelay $0x1  }
0xbc: {  	v4 =	vmax.f32 v4, v5  }
0xbd: {  	v4 =	vmul.f32 $1.442695020e+00, v4;
	_ =	sdelay $0x1  }
0xbe: {  	(erf) = vpow2.f32 v4;
	_ =	sdelay $0x8  }
0xbf: {  	v4 =	vpop (erf)  }
0xc0: {  	v5 =	vsel vm0, v4, v3  }
0xc1: {  	[tilespmem:s19+$0x32F0] =	vst v5  }
0xc2: {  	v13 =	vld [tilespmem:s18+$0x30]  }
.Ltmp2:
0xc3: {  	v12 =	vld [tilespmem:s18+$0xFFFFFFE0];
	(pc) =	sbr.rel @p1 .LBB2_7-.Ltmp2, $4  }
0xc4: {  	v10 =	vld [tilespmem:s18+$0x10]  }
0xc5: {  	v6 =	vbroadcast v4, $0x3;
	v7 =	vld [tilespmem:s18+$0x20]  }
0xc6: {  	v5 =	vbroadcast v4, $0x1;
	v9 =	vld [tilespmem:s18+$0x0]  }
0xc7: {  	v11 =	vbroadcast v4, $0x2;
	v8 =	vld [tilespmem:s18+$0xFFFFFFD0];
	v13 =	vmul.f32 v13, v6  }
0xc8: {  	v12 =	vmul.f32 v5, v12;
	v14 =	vld [tilespmem:s16+$0xFFFFFFF0]  }
0xc9: {  	v15 =	vld [tilespmem:s16+$0xFFFFFFC0];
	v10 =	vmul.f32 v10, v11;
	[tilespmem:s16+$0x30] =	vst v13  }
0xca: {  	v4 =	vbroadcast v4, $0x0;
	[tilespmem:s16+$0xFFFFFFE0] =	vst v12;
	v6 =	vmul.f32 v7, v6  }
0xcb: {  	v63 =	vmul.f32 v9, v11;
	[tilespmem:s16+$0x10] =	vst v10  }
0xcc: {  	v8 =	vmul.f32 v4, v8;
	[tilespmem:s16+$0x20] =	vst v6  }
0xcd: {  	v5 =	vmul.f32 v14, v5;
	[tilespmem:s16+$0x0] =	vst v63  }
0xce: {  	v4 =	vmul.f32 v4, v15;
	[tilespmem:s16+$0xFFFFFFD0] =	vst v8  }
0xcf: {  	[tilespmem:s16+$0xFFFFFFF0] =	vst v5  }
0xd0: {  	[tilespmem:s16+$0xFFFFFFC0] =	vst v4  }
0xd1: {  	[spmem:s2] =	stream.indirect.scatter.add.f32 [tilespmem:s31], [sflag:$0x2], $0x80, s11, s11, $0xb8;
	[tilespmem:$0x19FF0] =	vst v63  }
0xd2: {  	s15 =	sadd.s32 $0x1, s15;
	_ =	swait.ge [sflag:s0], $0x2800  }
0xd3: {  	p1 =	sne.s32 s15, $0xFA;
	[sflag:s0] =	ssyncset.done $0x0  }
.Ltmp3:
0xd4: {  	[sflag:s0] =	ssyncadd.s32 $0xFFFFD800;
	(pc) =	sbr.rel @p1 .LBB2_6-.Ltmp3, $4  }
0xd5: {  	[spmem:s3] =	stream.indirect.scatter.add.f32 [tilespmem:s4], [sflag:$0x2], $0x10, s11, s11, $0xb8;
	[tilespmem:$0x19FF0] =	vst v63  }
0xd6: {  	_ =	swait.ge [sflag:s0], $0x500  }
0xd7: {  	[sflag:s0] =	ssyncset.done $0x0  }
0xd8: {  	[sflag:s0] =	ssyncadd.s32 $0xFFFFFB00  }
0xd9: {  	s17 =	stileid.u32  }
0xda: {  	s15 =	sshll.u32 @p0 s17, $0x6  }
0xdb: {  	[bflag:$0x0] =	sbarrier.arrive $0xFFFF;
	s16 =	sshrl.u32 @p0 s9, $0x3;
	s15 =	sor.u32 @p0 $0x1C02, s15  }
0xdc: {  	[hbm:s25], [sflag:s15] =	dma.local @p0 [spmem:s16], $0x2800  }
0xdd: {  	s15 =	simm.s32 @p0 $0x2  }
0xde: {  	_ =	swait.ge @p0 [sflag:s15], $0x2800  }
0xdf: {  	s16 =	sshll.u32 @!p0 s17, $0x6;
	[sflag:s15] =	ssyncset.done @p0 $0x0  }
0xe0: {  	[sflag:s15] =	ssyncadd.s32 @p0 $0xFFFFD800;
	s15 =	sor.u32 @!p0 $0x1C02, s16;
	s16 =	sshrl.u32 @!p0 s9, $0x3  }
0xe1: {  	[hbm:s26], [sflag:s15] =	dma.local @!p0 [spmem:s16], $0x2800  }
0xe2: {  	s16 =	simm.s32 @!p0 $0x2  }
0xe3: {  	s14 =	sadd.s32 $0x1, s14;
	_ =	swait.ge @!p0 [sflag:s16], $0x2800  }
0xe4: {  	p1 =	sne.s32 s14, s29;
	[sflag:s16] =	ssyncset.done @!p0 $0x0  }
.Ltmp4:
0xe5: {  	s17 =	sshrl.u32 @!p0 s10, $0x3;
	[sflag:s16] =	ssyncadd.s32 @!p0 $0xFFFFD800;
	(pc) =	sbr.rel @p1 .LBB2_1-.Ltmp4, $4  }
0xe6: {  	[hbm:s28], [sflag:s15] =	dma.local @!p0 [spmem:s17], $0x500  }
0xe7: {  	_ =	swait.ge @!p0 [sflag:s16], $0x500  }
0xe8: {  	[sflag:s16] =	ssyncset.done @!p0 $0x0  }
0xe9: {  	s18 =	stileid.u32;
	[sflag:s16] =	ssyncadd.s32 @!p0 $0xFFFFFB00  }
0xea: {  	_ =	sfence.sel $0x180000  }
0xeb: {  	[bflag:$0x0] =	sbarrier.arrive $0xFFFF  }
0xec: {  	_ =	strace $0x90000047  }
0xed: {  	[bflag:$0x2] =	sbarrier.arrive $0xFFFF  }
0xee: {  	p0 =	sne.s32 s18, $0x0;
	s0 =	rddreg [dreg:$0x4]  }
0xef: {  	s0 =	sadd.s32 @!p0 $0x100000, s0  }
0xf0: {  	[sflag:s0] =	ssyncadd.tile.s32 @!p0 $0x1;
	_ =	shalt  }
.Lfunc_end2:
_tile_overlayer_lowered:
.L_overlay_start_2:
0xf1: {  	(tag) =	ssettag $0x2  }
0xf2: {  	s0 =	rddreg [dreg:$0x0];
	s2 =	stileid.u32  }
0xf3: {  	s1 =	rddreg [dreg:$0x1];
	p0 =	sne.s32 s2, $0x0  }
0xf4: {  	s3 =	rddreg [dreg:$0x2];
	[bflag:$0x3] =	sbarrier.arrive $0xFFFF;
	s2 =	simm.s32 @!p0 $0x1C02  }
0xf5: {  	[timem:s3], [sflag:s2] =	dma.local @!p0 [hbm:s0], s1  }
0xf6: {  	s0 =	simm.s32 @!p0 $0x2  }
0xf7: {  	_ =	swait.ge @!p0 [sflag:s0], s1  }
0xf8: {  	s1 =	ssub.s32 @!p0 $0x0, s1;
	[sflag:s0] =	ssyncset.done @!p0 $0x0  }
0xf9: {  	[sflag:s0] =	ssyncadd.s32 @!p0 s1  }
0xfa: {  	[bflag:$0x3] =	sbarrier.arrive $0xFFFF  }
0xfb: {  	_ =	shalt  }

</sc_bundles>
